<compile_context>
chip_gen: v7x
topology: tpu7x:2x2x1
jax: 0.10.2.dev20260603
libtpu: 0.0.44.dev20260713+nightly
codegen_flags: <defaults>
</compile_context>

<pallas_src>
import functools
import jax
import jax.numpy as jnp
from jax import lax
from jax.experimental import pallas as pl
from jax.experimental.pallas import tpu as pltpu, tpu_sc as plsc

HID = 128
R = 16
NB = 5
SEQ = 10
NG = 20
NPAD = 10240
NC = 2
NS = 16
NW = NC * NS
EK = 128


def _sc_gather_body(table, idx_hbm, out, idx_v, rows_v, sem):
    c = lax.axis_index("c")
    s = lax.axis_index("s")
    wid = c * NS + s
    bpw = NPAD // NW

    def step(i, _):
        off = wid * bpw + i * 64
        pltpu.sync_copy(idx_hbm.at[pl.ds(off, 64)], idx_v)
        pltpu.async_copy(table.at[idx_v], rows_v, sem).wait()
        pltpu.sync_copy(rows_v, out.at[pl.ds(off, 64)])
        return 0

    lax.fori_loop(0, bpw // 64, step, 0)


def _sc_gather(ent_embeds, node_ids_pad):
    k = functools.partial(
        pl.kernel,
        mesh=plsc.VectorSubcoreMesh(core_axis_name="c", subcore_axis_name="s"),
        out_type=jax.ShapeDtypeStruct((NPAD, HID), jnp.float32),
        scratch_types=[
            pltpu.VMEM((64,), jnp.int32),
            pltpu.VMEM((64, HID), jnp.float32),
            pltpu.SemaphoreType.DMA,
        ],
    )(_sc_gather_body)
    return k(ent_embeds, node_ids_pad)


def _sc_edge_body(nchunks, with_deg, xrel, gidx_hbm, dst_hbm, zrows, zdeg,
                  onesrc, *refs):
    if with_deg:
        (aggout, degout, gidx_a, dst_a, rows_a, gidx_b, dst_b, rows_b,
         ones_v, agg_sh, deg_sh, sema, semb) = refs
    else:
        (aggout, gidx_a, dst_a, rows_a, gidx_b, dst_b, rows_b,
         agg_sh, sema, semb) = refs
        deg_sh = ones_v = degout = None

    c = lax.axis_index("c")
    s = lax.axis_index("s")
    wid = c * NS + s
    rows = NPAD // NS
    pltpu.sync_copy(zrows, agg_sh.at[pl.ds(s * rows, rows)])
    if with_deg:
        pltpu.sync_copy(zdeg, deg_sh.at[pl.ds(s * rows, rows)])
        pltpu.sync_copy(onesrc, ones_v)
    plsc.subcore_barrier()

    ept = nchunks * EK
    npairs = nchunks // 2

    def fire(i, gidx_v, dst_v, rows_v, sem):
        off = wid * ept + i * EK
        pltpu.sync_copy(gidx_hbm.at[pl.ds(off, EK)], gidx_v)
        pltpu.sync_copy(dst_hbm.at[pl.ds(off, EK)], dst_v)
        return pltpu.async_copy(xrel.at[gidx_v], rows_v, sem)

    def drain(rows_v, sem):
        pltpu.make_async_copy(xrel.at[pl.ds(0, EK)], rows_v, sem).wait()

    def scatter(dst_v, rows_v):
        pltpu.sync_copy(rows_v, agg_sh.at[dst_v], add=True)
        if with_deg:
            pltpu.sync_copy(ones_v, deg_sh.at[dst_v], add=True)

    fire(0, gidx_a, dst_a, rows_a, sema)

    def pair(p, _):
        hb = fire(2 * p + 1, gidx_b, dst_b, rows_b, semb)
        drain(rows_a, sema)
        scatter(dst_a, rows_a)

        @pl.when(p < npairs - 1)
        def _():
            fire(2 * p + 2, gidx_a, dst_a, rows_a, sema)

        hb.wait()
        scatter(dst_b, rows_b)
        return 0

    lax.fori_loop(0, npairs, pair, 0)
    plsc.subcore_barrier()
    pltpu.sync_copy(agg_sh.at[pl.ds(s * rows, rows)],
                    aggout.at[c, pl.ds(s * rows, rows)])
    if with_deg:
        pltpu.sync_copy(deg_sh.at[pl.ds(s * rows, rows)],
                        degout.at[c, pl.ds(s * rows, rows)])


def _sc_edge(xrel, gidx, dst, with_deg):
    e_pad = gidx.shape[0]
    nchunks = e_pad // (NW * EK)
    zrows = jnp.zeros((NPAD // NS, HID), jnp.float32)
    zdeg = jnp.zeros((NPAD // NS,), jnp.float32)
    onesrc = jnp.ones((EK,), jnp.float32)
    outs = [jax.ShapeDtypeStruct((NC, NPAD, HID), jnp.float32)]
    scratch = [
        pltpu.VMEM((EK,), jnp.int32),
        pltpu.VMEM((EK,), jnp.int32),
        pltpu.VMEM((EK, HID), jnp.float32),
        pltpu.VMEM((EK,), jnp.int32),
        pltpu.VMEM((EK,), jnp.int32),
        pltpu.VMEM((EK, HID), jnp.float32),
    ]
    if with_deg:
        outs.append(jax.ShapeDtypeStruct((NC, NPAD), jnp.float32))
        scratch.append(pltpu.VMEM((EK,), jnp.float32))
    scratch.append(pltpu.VMEM_SHARED((NPAD, HID), jnp.float32))
    if with_deg:
        scratch.append(pltpu.VMEM_SHARED((NPAD,), jnp.float32))
    scratch.append(pltpu.SemaphoreType.DMA)
    scratch.append(pltpu.SemaphoreType.DMA)
    k = functools.partial(
        pl.kernel,
        mesh=plsc.VectorSubcoreMesh(core_axis_name="c", subcore_axis_name="s"),
        out_type=tuple(outs) if with_deg else outs[0],
        scratch_types=scratch,
    )(functools.partial(_sc_edge_body, nchunks, with_deg))
    return k(xrel, gidx, dst, zrows, zdeg, onesrc)


def _tc_xrel_body(x_ref, bases_ref, coeffs_ref, out_ref):
    r = pl.program_id(0)
    sel = (lax.broadcasted_iota(jnp.int32, (R, 1), 0) == r).astype(jnp.float32)
    cvec = jnp.sum(coeffs_ref[...] * sel, axis=0)
    w = jnp.tensordot(cvec, bases_ref[...], axes=[[0], [0]])
    out_ref[0] = jnp.dot(x_ref[...], w, preferred_element_type=jnp.float32)


def _tc_xrel(x, bases, coeffs):
    blk = 512
    out = pl.pallas_call(
        _tc_xrel_body,
        grid=(R, NPAD // blk),
        in_specs=[
            pl.BlockSpec((blk, HID), lambda r, b: (b, 0)),
            pl.BlockSpec((NB, HID, HID), lambda r, b: (0, 0, 0)),
            pl.BlockSpec((R, NB), lambda r, b: (0, 0)),
        ],
        out_specs=pl.BlockSpec((1, blk, HID), lambda r, b: (r, b, 0)),
        out_shape=jax.ShapeDtypeStruct((R, NPAD, HID), jnp.float32),
    )(x, bases, coeffs)
    return out.reshape(R * NPAD, HID)


def _tc_combine_body(aggp_ref, degp_ref, x_ref, wself_ref, out_ref):
    agg = jnp.sum(aggp_ref[...], axis=0)
    deg = jnp.sum(degp_ref[...], axis=0)
    agg = agg / jnp.maximum(deg, 1.0)[:, None]
    out_ref[...] = jax.nn.relu(agg + jnp.dot(x_ref[...], wself_ref[...],
                                             preferred_element_type=jnp.float32))


def _tc_combine(aggp, degp, x, wself):
    blk = 512
    return pl.pallas_call(
        _tc_combine_body,
        grid=(NPAD // blk,),
        in_specs=[
            pl.BlockSpec((NC, blk, HID), lambda b: (0, b, 0)),
            pl.BlockSpec((NC, blk), lambda b: (0, b)),
            pl.BlockSpec((blk, HID), lambda b: (b, 0)),
            pl.BlockSpec((HID, HID), lambda b: (0, 0)),
        ],
        out_specs=pl.BlockSpec((blk, HID), lambda b: (b, 0)),
        out_shape=jax.ShapeDtypeStruct((NPAD, HID), jnp.float32),
    )(aggp, degp, x, wself)


def _tc_pool_body(h_ref, gid_ref, t_ref, out_ref, acc_ref):
    i = pl.program_id(0)
    nblocks = pl.num_programs(0)

    @pl.when(i == 0)
    def _():
        acc_ref[...] = jnp.full((32, HID), -1.0, jnp.float32)

    gid = gid_ref[...]
    hb = h_ref[...]
    for g in range(NG):
        m = gid == g
        vals = jnp.where(m, hb, -1.0)
        mx = jnp.max(vals, axis=0)
        acc_ref[g, :] = jnp.maximum(acc_ref[g, :], mx)

    @pl.when(i == nblocks - 1)
    def _():
        gi = acc_ref[...]
        gi = jnp.where(gi < 0.0, 0.0, gi)
        trep = t_ref[...]
        nrow = trep.shape[0]
        j2 = lax.broadcasted_iota(jnp.int32, (nrow, 1), 0) % SEQ
        start = jnp.maximum(trep - SEQ, 0)
        tsel = jnp.clip(start + j2, 0, NG - 1)
        msk = (j2 < (trep - start)).astype(jnp.float32)
        onehot = (lax.broadcasted_iota(jnp.int32, (nrow, 32), 1)
                  == tsel).astype(jnp.float32)
        res = jnp.dot(onehot, gi, preferred_element_type=jnp.float32)
        out_ref[...] = res * msk


def _tc_pool(h, gid_pad, t_rep):
    blk = 512
    nrow = t_rep.shape[0]
    return pl.pallas_call(
        _tc_pool_body,
        grid=(NPAD // blk,),
        in_specs=[
            pl.BlockSpec((blk, HID), lambda i: (i, 0)),
            pl.BlockSpec((blk, 1), lambda i: (i, 0)),
            pl.BlockSpec((nrow, 1), lambda i: (0, 0)),
        ],
        out_specs=pl.BlockSpec((nrow, HID), lambda i: (0, 0)),
        out_shape=jax.ShapeDtypeStruct((nrow, HID), jnp.float32),
        scratch_shapes=[pltpu.VMEM((32, HID), jnp.float32)],
    )(h, gid_pad, t_rep)


def kernel(t_list, ent_embeds, edge_index, edge_type, node_ids, node_graph_ids,
           bases1, coeffs1, wself1, bases2, coeffs2, wself2):
    n = node_ids.shape[0]
    e = edge_type.shape[0]
    nid_pad = jnp.concatenate(
        [node_ids, jnp.zeros((NPAD - n,), jnp.int32)])
    gid_pad = jnp.concatenate(
        [node_graph_ids, jnp.full((NPAD - n,), 31, jnp.int32)])[:, None]
    src2 = jnp.concatenate([edge_index[0], edge_index[1]])
    dst2 = jnp.concatenate([edge_index[1], edge_index[0]])
    et2 = jnp.concatenate([edge_type, edge_type])
    e2 = 2 * e
    grain = 2 * NW * EK
    e_pad = ((e2 + grain - 1) // grain) * grain
    gidx = et2 * NPAD + src2
    gidx = jnp.concatenate([gidx, jnp.zeros((e_pad - e2,), jnp.int32)])
    dstp = jnp.concatenate(
        [dst2, jnp.full((e_pad - e2,), n, jnp.int32)])

    x = _sc_gather(ent_embeds, nid_pad)
    xrel1 = _tc_xrel(x, bases1, coeffs1)
    aggp1, degp = _sc_edge(xrel1, gidx, dstp, with_deg=True)
    h1 = _tc_combine(aggp1, degp, x, wself1)
    xrel2 = _tc_xrel(h1, bases2, coeffs2)
    aggp2 = _sc_edge(xrel2, gidx, dstp, with_deg=False)
    h2 = _tc_combine(aggp2, degp, h1, wself2)
    emb = _tc_pool(h2, gid_pad, jnp.repeat(t_list, SEQ)[:, None])
    return emb.reshape(t_list.shape[0], SEQ, HID)

# --- scband reference (transcript-rebuilt; emitter-appended) ---
"""Pipeline reference for scband-global-rgcnaggregator-4604204941374 (READ-ONLY COPY).

The authoritative reference and input builder live on the scoring server;
editing this copy changes nothing except your own understanding.
"""

import jax, jax.numpy as jnp
import numpy as np

HIDDEN = 128
NUM_RELS = 16
NUM_BASES = 5
SEQ_LEN = 10
NUM_GRAPHS = 20
N_NODES = 10000
N_EDGES = 320000
NUM_ENT = 10000
BATCH = 16


def setup_inputs(seed: int = 0) -> dict:
    key = jax.random.key(seed)
    ks = jax.random.split(key, 12)
    t_list = jnp.sort(jax.random.randint(ks[0], (BATCH,), 0, NUM_GRAPHS, dtype=jnp.int64 if jax.config.jax_enable_x64 else jnp.int32)).astype(jnp.int32)
    ent_embeds = jax.random.normal(ks[1], (NUM_ENT, HIDDEN), dtype=jnp.float32)
    edge_index = jax.random.randint(ks[2], (2, N_EDGES), 0, N_NODES).astype(jnp.int32)
    edge_type = jax.random.randint(ks[3], (N_EDGES,), 0, NUM_RELS).astype(jnp.int32)
    node_ids = jax.random.randint(ks[4], (N_NODES,), 0, NUM_ENT).astype(jnp.int32)
    node_graph_ids = jnp.sort(jax.random.randint(ks[5], (N_NODES,), 0, NUM_GRAPHS)).astype(jnp.int32)
    s_b = 1.0 / np.sqrt(HIDDEN)
    s_c = 1.0 / np.sqrt(NUM_BASES)
    bases1 = jax.random.normal(ks[6], (NUM_BASES, HIDDEN, HIDDEN), dtype=jnp.float32) * s_b
    coeffs1 = jax.random.normal(ks[7], (NUM_RELS, NUM_BASES), dtype=jnp.float32) * s_c
    wself1 = jax.random.normal(ks[8], (HIDDEN, HIDDEN), dtype=jnp.float32) * s_b
    bases2 = jax.random.normal(ks[9], (NUM_BASES, HIDDEN, HIDDEN), dtype=jnp.float32) * s_b
    coeffs2 = jax.random.normal(ks[10], (NUM_RELS, NUM_BASES), dtype=jnp.float32) * s_c
    wself2 = jax.random.normal(ks[11], (HIDDEN, HIDDEN), dtype=jnp.float32) * s_b
    return {
        't_list': t_list, 'ent_embeds': ent_embeds, 'edge_index': edge_index,
        'edge_type': edge_type, 'node_ids': node_ids, 'node_graph_ids': node_graph_ids,
        'bases1': bases1, 'coeffs1': coeffs1, 'wself1': wself1,
        'bases2': bases2, 'coeffs2': coeffs2, 'wself2': wself2,
    }


def _rgcn_layer(x, src, dst, etype, bases, coeffs, wself, n_nodes):
    # basis decomposition: W_r = sum_b coeffs[r,b] * bases[b]
    W = jnp.einsum('rb,bij->rij', coeffs, bases)            # [R, d, d]
    x_rel = jnp.einsum('nd,rdk->rnk', x, W)                 # [R, N, d]
    msg = x_rel[etype, src]                                 # [E, d] gather
    agg = jax.ops.segment_sum(msg, dst, num_segments=n_nodes)
    deg = jax.ops.segment_sum(jnp.ones((dst.shape[0],), dtype=x.dtype), dst, num_segments=n_nodes)
    agg = agg / jnp.maximum(deg, 1.0)[:, None]
    return jax.nn.relu(agg + x @ wself)


def reference(t_list, ent_embeds, edge_index, edge_type, node_ids, node_graph_ids,
              bases1, coeffs1, wself1, bases2, coeffs2, wself2):
    # gather node features from entity table (DGL ndata['id'] lookup)
    x = ent_embeds[node_ids]
    # UndirectedRGCN: add reverse edges with same relation type
    src = jnp.concatenate([edge_index[0], edge_index[1]])
    dst = jnp.concatenate([edge_index[1], edge_index[0]])
    et = jnp.concatenate([edge_type, edge_type])
    n = x.shape[0]
    h = _rgcn_layer(x, src, dst, et, bases1, coeffs1, wself1, n)
    h = _rgcn_layer(h, src, dst, et, bases2, coeffs2, wself2, n)
    # dgl.max_nodes -> per-graph segment max pooling
    gi = jax.ops.segment_max(h, node_graph_ids, num_segments=NUM_GRAPHS)
    gi = jnp.where(jnp.isfinite(gi), gi, 0.0)
    # history window selection: for each query time t, take the <= SEQ_LEN
    # timestep graphs strictly before t (times are 0..NUM_GRAPHS-1, time_unit=1)
    idx = jnp.clip(t_list, 0, NUM_GRAPHS)
    start = jnp.maximum(0, idx - SEQ_LEN)
    length = idx - start
    j = jnp.arange(SEQ_LEN)
    tsel = jnp.clip(start[:, None] + j[None, :], 0, NUM_GRAPHS - 1)
    mask = (j[None, :] < length[:, None]).astype(gi.dtype)
    # padded sequence tensor (PackedSequence payload); dropout is identity in eval
    emb = gi[tsel] * mask[:, :, None]
    return emb

if __name__ == "__main__":
    import jax
    _d = setup_inputs()
    print(jax.jit(kernel)(*tuple(_d.values())))

</pallas_src>

<mosaic_0001>
#map = affine_map<(d0, d1) -> (0, 0)>
#map1 = affine_map<(d0, d1) -> (0)>
module attributes {stable_mosaic.version = 14 : i64} {
  func.func @_sc_gather_body(%arg0: i32, %arg1: i32, %arg2: memref<10000x128xf32, #tpu.memory_space<hbm>>, %arg3: memref<10240xi32, #tpu.memory_space<hbm>>, %arg4: memref<10240x128xf32, #tpu.memory_space<hbm>>, %arg5: memref<64xi32, #tpu.memory_space<vmem>>, %arg6: memref<64x128xf32, #tpu.memory_space<vmem>>, %arg7: memref<!tpu.dma_semaphore, #tpu.memory_space<semaphore_mem>>) attributes {dimension_semantics = [#tpu.dimension_semantics<core_parallel>, #tpu.dimension_semantics<subcore_parallel>], iteration_bounds = array<i64: 2, 16>, scalar_prefetch = 0 : i64, scratch_operands = 3 : i64, tpu.core_type = #tpu.core_type<sc_vector_subcore>, window_params = [{transform_indices = #map}, {transform_indices = #map1}, {transform_indices = #map}]} {
    %mul3A = arith.constant 16 : i32
    %mul3A_0 = arith.muli %arg0, %mul3A : i32
    %add3A = arith.addi %mul3A_0, %arg1 : i32
    %scan3A = arith.constant 0 : i32
    %scan3A_1 = arith.constant 0 : i32
    %scan3A_2 = arith.constant 5 : i32
    %scan3A_3 = arith.addi %scan3A_1, %scan3A_2 : i32
    %scan3A_4 = arith.constant 1 : i32
    %scan3A_5 = scf.for %scan3A_7 = %scan3A_1 to %scan3A_3 step %scan3A_4 iter_args(%scan3A_8 = %scan3A) -> (i32)  : i32 {
      %mul3A_9 = arith.constant 320 : i32
      %mul3A_10 = arith.muli %add3A, %mul3A_9 : i32
      %mul3A_11 = arith.constant 64 : i32
      %mul3A_12 = arith.muli %scan3A_7, %mul3A_11 : i32
      %add3A_13 = arith.addi %mul3A_10, %mul3A_12 : i32
      "tpu.region"() ({
        %run_scoped3A = tpu.sem_alloc : memref<!tpu.dma_semaphore, #tpu.memory_space<semaphore_mem>>
        %dma_start3A_19 = tpu.memref_slice %arg3[%add3A_13] : memref<10240xi32, #tpu.memory_space<hbm>> -> memref<64xi32, #tpu.memory_space<hbm>>
        %dma_start3A_20 = tpu.memref_slice %arg3[%add3A_13] : memref<10240xi32, #tpu.memory_space<hbm>> -> memref<64xi32, #tpu.memory_space<hbm>>
        tpu.enqueue_dma source(%dma_start3A_20 : memref<64xi32, #tpu.memory_space<hbm>>) target(%arg5 : memref<64xi32, #tpu.memory_space<vmem>>) target_semaphore(%run_scoped3A : memref<!tpu.dma_semaphore, #tpu.memory_space<semaphore_mem>>)
        %dma_wait3A_21 = tpu.memref_slice %arg3[%add3A_13] : memref<10240xi32, #tpu.memory_space<hbm>> -> memref<64xi32, #tpu.memory_space<hbm>>
        %dma_wait3A_22 = tpu.memref_slice %arg3[%add3A_13] : memref<10240xi32, #tpu.memory_space<hbm>> -> memref<64xi32, #tpu.memory_space<hbm>>
        tpu.wait_dma2 semaphore(%run_scoped3A : memref<!tpu.dma_semaphore, #tpu.memory_space<semaphore_mem>>) src(%dma_wait3A_22 : memref<64xi32, #tpu.memory_space<hbm>>) dst(%arg5 : memref<64xi32, #tpu.memory_space<vmem>>)
        tpu.yield
      }) : () -> ()
      %dma_start3A = arith.constant 0 : i32
      %dma_start3A_14 = arith.constant 0 : i32
      %dma_start3A_15 = tpu.memref_slice %arg2[%dma_start3A, %dma_start3A_14] : memref<10000x128xf32, #tpu.memory_space<hbm>> -> memref<10000x128xf32, #tpu.memory_space<hbm>>
      tpu.enqueue_indirect_dma source(%dma_start3A_15 : memref<10000x128xf32, #tpu.memory_space<hbm>>) target(%arg6 : memref<64x128xf32, #tpu.memory_space<vmem>>) offsets(%arg5 : memref<64xi32, #tpu.memory_space<vmem>>) semaphore(%arg7 : memref<!tpu.dma_semaphore, #tpu.memory_space<semaphore_mem>>)
      %dma_wait3A = arith.constant 0 : i32
      %dma_wait3A_16 = arith.constant 0 : i32
      %dma_wait3A_17 = tpu.memref_slice %arg2[%dma_wait3A, %dma_wait3A_16] : memref<10000x128xf32, #tpu.memory_space<hbm>> -> memref<10000x128xf32, #tpu.memory_space<hbm>>
      tpu.wait_indirect_dma semaphore(%arg7 : memref<!tpu.dma_semaphore, #tpu.memory_space<semaphore_mem>>) src(%dma_wait3A_17 : memref<10000x128xf32, #tpu.memory_space<hbm>>) dst(%arg6 : memref<64x128xf32, #tpu.memory_space<vmem>>)
      "tpu.region"() ({
        %run_scoped3A = tpu.sem_alloc : memref<!tpu.dma_semaphore, #tpu.memory_space<semaphore_mem>>
        %dma_start3A_19 = arith.constant 0 : i32
        %dma_start3A_20 = tpu.memref_slice %arg4[%add3A_13, %dma_start3A_19] : memref<10240x128xf32, #tpu.memory_space<hbm>> -> memref<64x128xf32, #tpu.memory_space<hbm>>
        %dma_start3A_21 = arith.constant 0 : i32
        %dma_start3A_22 = tpu.memref_slice %arg4[%add3A_13, %dma_start3A_21] : memref<10240x128xf32, #tpu.memory_space<hbm>> -> memref<64x128xf32, #tpu.memory_space<hbm>>
        tpu.enqueue_dma source(%arg6 : memref<64x128xf32, #tpu.memory_space<vmem>>) target(%dma_start3A_22 : memref<64x128xf32, #tpu.memory_space<hbm>>) target_semaphore(%run_scoped3A : memref<!tpu.dma_semaphore, #tpu.memory_space<semaphore_mem>>)
        %dma_wait3A_23 = arith.constant 0 : i32
        %dma_wait3A_24 = tpu.memref_slice %arg4[%add3A_13, %dma_wait3A_23] : memref<10240x128xf32, #tpu.memory_space<hbm>> -> memref<64x128xf32, #tpu.memory_space<hbm>>
        %dma_wait3A_25 = arith.constant 0 : i32
        %dma_wait3A_26 = tpu.memref_slice %arg4[%add3A_13, %dma_wait3A_25] : memref<10240x128xf32, #tpu.memory_space<hbm>> -> memref<64x128xf32, #tpu.memory_space<hbm>>
        tpu.wait_dma2 semaphore(%run_scoped3A : memref<!tpu.dma_semaphore, #tpu.memory_space<semaphore_mem>>) src(%arg6 : memref<64x128xf32, #tpu.memory_space<vmem>>) dst(%dma_wait3A_26 : memref<64x128xf32, #tpu.memory_space<hbm>>)
        tpu.yield
      }) : () -> ()
      %scan3A_18 = arith.constant 0 : i32
      scf.yield %scan3A_18 : i32
    }
    %scan3A_6 = arith.constant 5 : i32
    return
  }
}

#map = affine_map<(d0, d1) -> (0, 0)>
#map1 = affine_map<(d0, d1) -> (0)>
#map2 = affine_map<(d0, d1) -> (0, 0, 0)>
module attributes {stable_mosaic.version = 14 : i64} {
  func.func @_sc_edge_body(%arg0: i32, %arg1: i32, %arg2: memref<163840x128xf32, #tpu.memory_space<hbm>>, %arg3: memref<647168xi32, #tpu.memory_space<hbm>>, %arg4: memref<647168xi32, #tpu.memory_space<hbm>>, %arg5: memref<640x128xf32, #tpu.memory_space<hbm>>, %arg6: memref<640xf32, #tpu.memory_space<hbm>>, %arg7: memref<128xf32, #tpu.memory_space<hbm>>, %arg8: memref<2x10240x128xf32, #tpu.memory_space<hbm>>, %arg9: memref<2x10240xf32, #tpu.memory_space<hbm>>, %arg10: memref<128xi32, #tpu.memory_space<vmem>>, %arg11: memref<128xi32, #tpu.memory_space<vmem>>, %arg12: memref<128x128xf32, #tpu.memory_space<vmem>>, %arg13: memref<128xi32, #tpu.memory_space<vmem>>, %arg14: memref<128xi32, #tpu.memory_space<vmem>>, %arg15: memref<128x128xf32, #tpu.memory_space<vmem>>, %arg16: memref<128xf32, #tpu.memory_space<vmem>>, %arg17: memref<10240x128xf32, #tpu.memory_space<vmem_shared>>, %arg18: memref<10240xf32, #tpu.memory_space<vmem_shared>>, %arg19: memref<!tpu.dma_semaphore, #tpu.memory_space<semaphore_mem>>, %arg20: memref<!tpu.dma_semaphore, #tpu.memory_space<semaphore_mem>>) attributes {dimension_semantics = [#tpu.dimension_semantics<core_parallel>, #tpu.dimension_semantics<subcore_parallel>], iteration_bounds = array<i64: 2, 16>, scalar_prefetch = 0 : i64, scratch_operands = 11 : i64, tpu.core_type = #tpu.core_type<sc_vector_subcore>, window_params = [{transform_indices = #map}, {transform_indices = #map1}, {transform_indices = #map1}, {transform_indices = #map}, {transform_indices = #map1}, {transform_indices = #map1}, {transform_indices = #map2}, {transform_indices = #map}]} {
    %mul3A = arith.constant 16 : i32
    %mul3A_0 = arith.muli %arg0, %mul3A : i32
    %add3A = arith.addi %mul3A_0, %arg1 : i32
    %mul3A_1 = arith.constant 640 : i32
    %mul3A_2 = arith.muli %arg1, %mul3A_1 : i32
    "tpu.region"() ({
      %run_scoped3A = tpu.sem_alloc : memref<!tpu.dma_semaphore, #tpu.memory_space<semaphore_mem>>
      %dma_start3A_26 = arith.constant 0 : i32
      %dma_start3A_27 = tpu.memref_slice %arg17[%mul3A_2, %dma_start3A_26] : memref<10240x128xf32, #tpu.memory_space<vmem_shared>> -> memref<640x128xf32, #tpu.memory_space<vmem_shared>>
      tpu.enqueue_dma source(%arg5 : memref<640x128xf32, #tpu.memory_space<hbm>>) target(%dma_start3A_27 : memref<640x128xf32, #tpu.memory_space<vmem_shared>>) target_semaphore(%run_scoped3A : memref<!tpu.dma_semaphore, #tpu.memory_space<semaphore_mem>>)
      %dma_wait3A = arith.constant 0 : i32
      %dma_wait3A_28 = tpu.memref_slice %arg17[%mul3A_2, %dma_wait3A] : memref<10240x128xf32, #tpu.memory_space<vmem_shared>> -> memref<640x128xf32, #tpu.memory_space<vmem_shared>>
      tpu.wait_dma2 semaphore(%run_scoped3A : memref<!tpu.dma_semaphore, #tpu.memory_space<semaphore_mem>>) src(%arg5 : memref<640x128xf32, #tpu.memory_space<hbm>>) dst(%dma_wait3A_28 : memref<640x128xf32, #tpu.memory_space<vmem_shared>>)
      tpu.yield
    }) : () -> ()
    %mul3A_3 = arith.constant 640 : i32
    %mul3A_4 = arith.muli %arg1, %mul3A_3 : i32
    "tpu.region"() ({
      %run_scoped3A = tpu.sem_alloc : memref<!tpu.dma_semaphore, #tpu.memory_space<semaphore_mem>>
      %dma_start3A_26 = tpu.memref_slice %arg18[%mul3A_4] : memref<10240xf32, #tpu.memory_space<vmem_shared>> -> memref<640xf32, #tpu.memory_space<vmem_shared>>
      tpu.enqueue_dma source(%arg6 : memref<640xf32, #tpu.memory_space<hbm>>) target(%dma_start3A_26 : memref<640xf32, #tpu.memory_space<vmem_shared>>) target_semaphore(%run_scoped3A : memref<!tpu.dma_semaphore, #tpu.memory_space<semaphore_mem>>)
      %dma_wait3A = tpu.memref_slice %arg18[%mul3A_4] : memref<10240xf32, #tpu.memory_space<vmem_shared>> -> memref<640xf32, #tpu.memory_space<vmem_shared>>
      tpu.wait_dma2 semaphore(%run_scoped3A : memref<!tpu.dma_semaphore, #tpu.memory_space<semaphore_mem>>) src(%arg6 : memref<640xf32, #tpu.memory_space<hbm>>) dst(%dma_wait3A : memref<640xf32, #tpu.memory_space<vmem_shared>>)
      tpu.yield
    }) : () -> ()
    "tpu.region"() ({
      %run_scoped3A = tpu.sem_alloc : memref<!tpu.dma_semaphore, #tpu.memory_space<semaphore_mem>>
      tpu.enqueue_dma source(%arg7 : memref<128xf32, #tpu.memory_space<hbm>>) target(%arg16 : memref<128xf32, #tpu.memory_space<vmem>>) target_semaphore(%run_scoped3A : memref<!tpu.dma_semaphore, #tpu.memory_space<semaphore_mem>>)
      tpu.wait_dma2 semaphore(%run_scoped3A : memref<!tpu.dma_semaphore, #tpu.memory_space<semaphore_mem>>) src(%arg7 : memref<128xf32, #tpu.memory_space<hbm>>) dst(%arg16 : memref<128xf32, #tpu.memory_space<vmem>>)
      tpu.yield
    }) : () -> ()
    %barrier3A = arith.constant 0 : index
    tpu.barrier barrier_id(%barrier3A)
    %mul3A_5 = arith.constant 20224 : i32
    %mul3A_6 = arith.muli %add3A, %mul3A_5 : i32
    %add3A_7 = arith.constant 0 : i32
    %add3A_8 = arith.addi %mul3A_6, %add3A_7 : i32
    "tpu.region"() ({
      %run_scoped3A = tpu.sem_alloc : memref<!tpu.dma_semaphore, #tpu.memory_space<semaphore_mem>>
      %dma_start3A_26 = tpu.memref_slice %arg3[%add3A_8] : memref<647168xi32, #tpu.memory_space<hbm>> -> memref<128xi32, #tpu.memory_space<hbm>>
      %dma_start3A_27 = tpu.memref_slice %arg3[%add3A_8] : memref<647168xi32, #tpu.memory_space<hbm>> -> memref<128xi32, #tpu.memory_space<hbm>>
      tpu.enqueue_dma source(%dma_start3A_27 : memref<128xi32, #tpu.memory_space<hbm>>) target(%arg10 : memref<128xi32, #tpu.memory_space<vmem>>) target_semaphore(%run_scoped3A : memref<!tpu.dma_semaphore, #tpu.memory_space<semaphore_mem>>)
      %dma_wait3A = tpu.memref_slice %arg3[%add3A_8] : memref<647168xi32, #tpu.memory_space<hbm>> -> memref<128xi32, #tpu.memory_space<hbm>>
      %dma_wait3A_28 = tpu.memref_slice %arg3[%add3A_8] : memref<647168xi32, #tpu.memory_space<hbm>> -> memref<128xi32, #tpu.memory_space<hbm>>
      tpu.wait_dma2 semaphore(%run_scoped3A : memref<!tpu.dma_semaphore, #tpu.memory_space<semaphore_mem>>) src(%dma_wait3A_28 : memref<128xi32, #tpu.memory_space<hbm>>) dst(%arg10 : memref<128xi32, #tpu.memory_space<vmem>>)
      tpu.yield
    }) : () -> ()
    "tpu.region"() ({
      %run_scoped3A = tpu.sem_alloc : memref<!tpu.dma_semaphore, #tpu.memory_space<semaphore_mem>>
      %dma_start3A_26 = tpu.memref_slice %arg4[%add3A_8] : memref<647168xi32, #tpu.memory_space<hbm>> -> memref<128xi32, #tpu.memory_space<hbm>>
      %dma_start3A_27 = tpu.memref_slice %arg4[%add3A_8] : memref<647168xi32, #tpu.memory_space<hbm>> -> memref<128xi32, #tpu.memory_space<hbm>>
      tpu.enqueue_dma source(%dma_start3A_27 : memref<128xi32, #tpu.memory_space<hbm>>) target(%arg11 : memref<128xi32, #tpu.memory_space<vmem>>) target_semaphore(%run_scoped3A : memref<!tpu.dma_semaphore, #tpu.memory_space<semaphore_mem>>)
      %dma_wait3A = tpu.memref_slice %arg4[%add3A_8] : memref<647168xi32, #tpu.memory_space<hbm>> -> memref<128xi32, #tpu.memory_space<hbm>>
      %dma_wait3A_28 = tpu.memref_slice %arg4[%add3A_8] : memref<647168xi32, #tpu.memory_space<hbm>> -> memref<128xi32, #tpu.memory_space<hbm>>
      tpu.wait_dma2 semaphore(%run_scoped3A : memref<!tpu.dma_semaphore, #tpu.memory_space<semaphore_mem>>) src(%dma_wait3A_28 : memref<128xi32, #tpu.memory_space<hbm>>) dst(%arg11 : memref<128xi32, #tpu.memory_space<vmem>>)
      tpu.yield
    }) : () -> ()
    %dma_start3A = arith.constant 0 : i32
    %dma_start3A_9 = arith.constant 0 : i32
    %dma_start3A_10 = tpu.memref_slice %arg2[%dma_start3A, %dma_start3A_9] : memref<163840x128xf32, #tpu.memory_space<hbm>> -> memref<163840x128xf32, #tpu.memory_space<hbm>>
    tpu.enqueue_indirect_dma source(%dma_start3A_10 : memref<163840x128xf32, #tpu.memory_space<hbm>>) target(%arg12 : memref<128x128xf32, #tpu.memory_space<vmem>>) offsets(%arg10 : memref<128xi32, #tpu.memory_space<vmem>>) semaphore(%arg19 : memref<!tpu.dma_semaphore, #tpu.memory_space<semaphore_mem>>)
    %scan3A = arith.constant 0 : i32
    %scan3A_11 = arith.constant 0 : i32
    %scan3A_12 = arith.constant 79 : i32
    %scan3A_13 = arith.addi %scan3A_11, %scan3A_12 : i32
    %scan3A_14 = arith.constant 1 : i32
    %scan3A_15 = scf.for %scan3A_26 = %scan3A_11 to %scan3A_13 step %scan3A_14 iter_args(%scan3A_27 = %scan3A) -> (i32)  : i32 {
      %mul3A_28 = arith.constant 2 : i32
      %mul3A_29 = arith.muli %mul3A_28, %scan3A_26 : i32
      %add3A_30 = arith.constant 1 : i32
      %add3A_31 = arith.addi %mul3A_29, %add3A_30 : i32
      %mul3A_32 = arith.constant 20224 : i32
      %mul3A_33 = arith.muli %add3A, %mul3A_32 : i32
      %mul3A_34 = arith.constant 128 : i32
      %mul3A_35 = arith.muli %add3A_31, %mul3A_34 : i32
      %add3A_36 = arith.addi %mul3A_33, %mul3A_35 : i32
      "tpu.region"() ({
        %run_scoped3A = tpu.sem_alloc : memref<!tpu.dma_semaphore, #tpu.memory_space<semaphore_mem>>
        %dma_start3A_51 = tpu.memref_slice %arg3[%add3A_36] : memref<647168xi32, #tpu.memory_space<hbm>> -> memref<128xi32, #tpu.memory_space<hbm>>
        %dma_start3A_52 = tpu.memref_slice %arg3[%add3A_36] : memref<647168xi32, #tpu.memory_space<hbm>> -> memref<128xi32, #tpu.memory_space<hbm>>
        tpu.enqueue_dma source(%dma_start3A_52 : memref<128xi32, #tpu.memory_space<hbm>>) target(%arg13 : memref<128xi32, #tpu.memory_space<vmem>>) target_semaphore(%run_scoped3A : memref<!tpu.dma_semaphore, #tpu.memory_space<semaphore_mem>>)
        %dma_wait3A_53 = tpu.memref_slice %arg3[%add3A_36] : memref<647168xi32, #tpu.memory_space<hbm>> -> memref<128xi32, #tpu.memory_space<hbm>>
        %dma_wait3A_54 = tpu.memref_slice %arg3[%add3A_36] : memref<647168xi32, #tpu.memory_space<hbm>> -> memref<128xi32, #tpu.memory_space<hbm>>
        tpu.wait_dma2 semaphore(%run_scoped3A : memref<!tpu.dma_semaphore, #tpu.memory_space<semaphore_mem>>) src(%dma_wait3A_54 : memref<128xi32, #tpu.memory_space<hbm>>) dst(%arg13 : memref<128xi32, #tpu.memory_space<vmem>>)
        tpu.yield
      }) : () -> ()
      "tpu.region"() ({
        %run_scoped3A = tpu.sem_alloc : memref<!tpu.dma_semaphore, #tpu.memory_space<semaphore_mem>>
        %dma_start3A_51 = tpu.memref_slice %arg4[%add3A_36] : memref<647168xi32, #tpu.memory_space<hbm>> -> memref<128xi32, #tpu.memory_space<hbm>>
        %dma_start3A_52 = tpu.memref_slice %arg4[%add3A_36] : memref<647168xi32, #tpu.memory_space<hbm>> -> memref<128xi32, #tpu.memory_space<hbm>>
        tpu.enqueue_dma source(%dma_start3A_52 : memref<128xi32, #tpu.memory_space<hbm>>) target(%arg14 : memref<128xi32, #tpu.memory_space<vmem>>) target_semaphore(%run_scoped3A : memref<!tpu.dma_semaphore, #tpu.memory_space<semaphore_mem>>)
        %dma_wait3A_53 = tpu.memref_slice %arg4[%add3A_36] : memref<647168xi32, #tpu.memory_space<hbm>> -> memref<128xi32, #tpu.memory_space<hbm>>
        %dma_wait3A_54 = tpu.memref_slice %arg4[%add3A_36] : memref<647168xi32, #tpu.memory_space<hbm>> -> memref<128xi32, #tpu.memory_space<hbm>>
        tpu.wait_dma2 semaphore(%run_scoped3A : memref<!tpu.dma_semaphore, #tpu.memory_space<semaphore_mem>>) src(%dma_wait3A_54 : memref<128xi32, #tpu.memory_space<hbm>>) dst(%arg14 : memref<128xi32, #tpu.memory_space<vmem>>)
        tpu.yield
      }) : () -> ()
      %dma_start3A_37 = arith.constant 0 : i32
      %dma_start3A_38 = arith.constant 0 : i32
      %dma_start3A_39 = tpu.memref_slice %arg2[%dma_start3A_37, %dma_start3A_38] : memref<163840x128xf32, #tpu.memory_space<hbm>> -> memref<163840x128xf32, #tpu.memory_space<hbm>>
      tpu.enqueue_indirect_dma source(%dma_start3A_39 : memref<163840x128xf32, #tpu.memory_space<hbm>>) target(%arg15 : memref<128x128xf32, #tpu.memory_space<vmem>>) offsets(%arg13 : memref<128xi32, #tpu.memory_space<vmem>>) semaphore(%arg20 : memref<!tpu.dma_semaphore, #tpu.memory_space<semaphore_mem>>)
      %dma_wait3A = arith.constant 0 : i32
      %dma_wait3A_40 = arith.constant 0 : i32
      %dma_wait3A_41 = tpu.memref_slice %arg2[%dma_wait3A, %dma_wait3A_40] : memref<163840x128xf32, #tpu.memory_space<hbm>> -> memref<128x128xf32, #tpu.memory_space<hbm>>
      %dma_wait3A_42 = arith.constant 0 : i32
      %dma_wait3A_43 = arith.constant 0 : i32
      %dma_wait3A_44 = tpu.memref_slice %arg2[%dma_wait3A_42, %dma_wait3A_43] : memref<163840x128xf32, #tpu.memory_space<hbm>> -> memref<128x128xf32, #tpu.memory_space<hbm>>
      tpu.wait_dma2 semaphore(%arg19 : memref<!tpu.dma_semaphore, #tpu.memory_space<semaphore_mem>>) src(%dma_wait3A_44 : memref<128x128xf32, #tpu.memory_space<hbm>>) dst(%arg12 : memref<128x128xf32, #tpu.memory_space<vmem>>)
      "tpu.region"() ({
        %run_scoped3A = tpu.sem_alloc : memref<!tpu.dma_semaphore, #tpu.memory_space<semaphore_mem>>
        %dma_start3A_51 = arith.constant 0 : i32
        %dma_start3A_52 = arith.constant 0 : i32
        %dma_start3A_53 = tpu.memref_slice %arg17[%dma_start3A_51, %dma_start3A_52] : memref<10240x128xf32, #tpu.memory_space<vmem_shared>> -> memref<10240x128xf32, #tpu.memory_space<vmem_shared>>
        tpu.enqueue_indirect_dma source(%arg12 : memref<128x128xf32, #tpu.memory_space<vmem>>) target(%dma_start3A_53 : memref<10240x128xf32, #tpu.memory_space<vmem_shared>>) offsets(%arg11 : memref<128xi32, #tpu.memory_space<vmem>>) semaphore(%run_scoped3A : memref<!tpu.dma_semaphore, #tpu.memory_space<semaphore_mem>>) {add = true}
        %dma_wait3A_54 = arith.constant 0 : i32
        %dma_wait3A_55 = arith.constant 0 : i32
        %dma_wait3A_56 = tpu.memref_slice %arg17[%dma_wait3A_54, %dma_wait3A_55] : memref<10240x128xf32, #tpu.memory_space<vmem_shared>> -> memref<10240x128xf32, #tpu.memory_space<vmem_shared>>
        tpu.wait_indirect_dma semaphore(%run_scoped3A : memref<!tpu.dma_semaphore, #tpu.memory_space<semaphore_mem>>) src(%arg12 : memref<128x128xf32, #tpu.memory_space<vmem>>) dst(%dma_wait3A_56 : memref<10240x128xf32, #tpu.memory_space<vmem_shared>>)
        tpu.yield
      }) : () -> ()
      "tpu.region"() ({
        %run_scoped3A = tpu.sem_alloc : memref<!tpu.dma_semaphore, #tpu.memory_space<semaphore_mem>>
        %dma_start3A_51 = arith.constant 0 : i32
        %dma_start3A_52 = tpu.memref_slice %arg18[%dma_start3A_51] : memref<10240xf32, #tpu.memory_space<vmem_shared>> -> memref<10240xf32, #tpu.memory_space<vmem_shared>>
        tpu.enqueue_indirect_dma source(%arg16 : memref<128xf32, #tpu.memory_space<vmem>>) target(%dma_start3A_52 : memref<10240xf32, #tpu.memory_space<vmem_shared>>) offsets(%arg11 : memref<128xi32, #tpu.memory_space<vmem>>) semaphore(%run_scoped3A : memref<!tpu.dma_semaphore, #tpu.memory_space<semaphore_mem>>) {add = true}
        %dma_wait3A_53 = arith.constant 0 : i32
        %dma_wait3A_54 = tpu.memref_slice %arg18[%dma_wait3A_53] : memref<10240xf32, #tpu.memory_space<vmem_shared>> -> memref<10240xf32, #tpu.memory_space<vmem_shared>>
        tpu.wait_indirect_dma semaphore(%run_scoped3A : memref<!tpu.dma_semaphore, #tpu.memory_space<semaphore_mem>>) src(%arg16 : memref<128xf32, #tpu.memory_space<vmem>>) dst(%dma_wait3A_54 : memref<10240xf32, #tpu.memory_space<vmem_shared>>)
        tpu.yield
      }) : () -> ()
      %lt3A = arith.constant 78 : i32
      %lt3A_45 = arith.cmpi slt, %scan3A_26, %lt3A : i32
      %convert_element_type3A = arith.extui %lt3A_45 : i1 to i32
      %cond3A = arith.constant 0 : i32
      %cond3A_46 = arith.cmpi ne, %convert_element_type3A, %cond3A : i32
      scf.if %cond3A_46 {
        %mul3A_51 = arith.constant 2 : i32
        %mul3A_52 = arith.muli %mul3A_51, %scan3A_26 : i32
        %add3A_53 = arith.constant 2 : i32
        %add3A_54 = arith.addi %mul3A_52, %add3A_53 : i32
        %mul3A_55 = arith.constant 20224 : i32
        %mul3A_56 = arith.muli %add3A, %mul3A_55 : i32
        %mul3A_57 = arith.constant 128 : i32
        %mul3A_58 = arith.muli %add3A_54, %mul3A_57 : i32
        %add3A_59 = arith.addi %mul3A_56, %mul3A_58 : i32
        "tpu.region"() ({
          %run_scoped3A = tpu.sem_alloc : memref<!tpu.dma_semaphore, #tpu.memory_space<semaphore_mem>>
          %dma_start3A_63 = tpu.memref_slice %arg3[%add3A_59] : memref<647168xi32, #tpu.memory_space<hbm>> -> memref<128xi32, #tpu.memory_space<hbm>>
          %dma_start3A_64 = tpu.memref_slice %arg3[%add3A_59] : memref<647168xi32, #tpu.memory_space<hbm>> -> memref<128xi32, #tpu.memory_space<hbm>>
          tpu.enqueue_dma source(%dma_start3A_64 : memref<128xi32, #tpu.memory_space<hbm>>) target(%arg10 : memref<128xi32, #tpu.memory_space<vmem>>) target_semaphore(%run_scoped3A : memref<!tpu.dma_semaphore, #tpu.memory_space<semaphore_mem>>)
          %dma_wait3A_65 = tpu.memref_slice %arg3[%add3A_59] : memref<647168xi32, #tpu.memory_space<hbm>> -> memref<128xi32, #tpu.memory_space<hbm>>
          %dma_wait3A_66 = tpu.memref_slice %arg3[%add3A_59] : memref<647168xi32, #tpu.memory_space<hbm>> -> memref<128xi32, #tpu.memory_space<hbm>>
          tpu.wait_dma2 semaphore(%run_scoped3A : memref<!tpu.dma_semaphore, #tpu.memory_space<semaphore_mem>>) src(%dma_wait3A_66 : memref<128xi32, #tpu.memory_space<hbm>>) dst(%arg10 : memref<128xi32, #tpu.memory_space<vmem>>)
          tpu.yield
        }) : () -> ()
        "tpu.region"() ({
          %run_scoped3A = tpu.sem_alloc : memref<!tpu.dma_semaphore, #tpu.memory_space<semaphore_mem>>
          %dma_start3A_63 = tpu.memref_slice %arg4[%add3A_59] : memref<647168xi32, #tpu.memory_space<hbm>> -> memref<128xi32, #tpu.memory_space<hbm>>
          %dma_start3A_64 = tpu.memref_slice %arg4[%add3A_59] : memref<647168xi32, #tpu.memory_space<hbm>> -> memref<128xi32, #tpu.memory_space<hbm>>
          tpu.enqueue_dma source(%dma_start3A_64 : memref<128xi32, #tpu.memory_space<hbm>>) target(%arg11 : memref<128xi32, #tpu.memory_space<vmem>>) target_semaphore(%run_scoped3A : memref<!tpu.dma_semaphore, #tpu.memory_space<semaphore_mem>>)
          %dma_wait3A_65 = tpu.memref_slice %arg4[%add3A_59] : memref<647168xi32, #tpu.memory_space<hbm>> -> memref<128xi32, #tpu.memory_space<hbm>>
          %dma_wait3A_66 = tpu.memref_slice %arg4[%add3A_59] : memref<647168xi32, #tpu.memory_space<hbm>> -> memref<128xi32, #tpu.memory_space<hbm>>
          tpu.wait_dma2 semaphore(%run_scoped3A : memref<!tpu.dma_semaphore, #tpu.memory_space<semaphore_mem>>) src(%dma_wait3A_66 : memref<128xi32, #tpu.memory_space<hbm>>) dst(%arg11 : memref<128xi32, #tpu.memory_space<vmem>>)
          tpu.yield
        }) : () -> ()
        %dma_start3A_60 = arith.constant 0 : i32
        %dma_start3A_61 = arith.constant 0 : i32
        %dma_start3A_62 = tpu.memref_slice %arg2[%dma_start3A_60, %dma_start3A_61] : memref<163840x128xf32, #tpu.memory_space<hbm>> -> memref<163840x128xf32, #tpu.memory_space<hbm>>
        tpu.enqueue_indirect_dma source(%dma_start3A_62 : memref<163840x128xf32, #tpu.memory_space<hbm>>) target(%arg12 : memref<128x128xf32, #tpu.memory_space<vmem>>) offsets(%arg10 : memref<128xi32, #tpu.memory_space<vmem>>) semaphore(%arg19 : memref<!tpu.dma_semaphore, #tpu.memory_space<semaphore_mem>>)
      } else {
      }
      %dma_wait3A_47 = arith.constant 0 : i32
      %dma_wait3A_48 = arith.constant 0 : i32
      %dma_wait3A_49 = tpu.memref_slice %arg2[%dma_wait3A_47, %dma_wait3A_48] : memref<163840x128xf32, #tpu.memory_space<hbm>> -> memref<163840x128xf32, #tpu.memory_space<hbm>>
      tpu.wait_indirect_dma semaphore(%arg20 : memref<!tpu.dma_semaphore, #tpu.memory_space<semaphore_mem>>) src(%dma_wait3A_49 : memref<163840x128xf32, #tpu.memory_space<hbm>>) dst(%arg15 : memref<128x128xf32, #tpu.memory_space<vmem>>)
      "tpu.region"() ({
        %run_scoped3A = tpu.sem_alloc : memref<!tpu.dma_semaphore, #tpu.memory_space<semaphore_mem>>
        %dma_start3A_51 = arith.constant 0 : i32
        %dma_start3A_52 = arith.constant 0 : i32
        %dma_start3A_53 = tpu.memref_slice %arg17[%dma_start3A_51, %dma_start3A_52] : memref<10240x128xf32, #tpu.memory_space<vmem_shared>> -> memref<10240x128xf32, #tpu.memory_space<vmem_shared>>
        tpu.enqueue_indirect_dma source(%arg15 : memref<128x128xf32, #tpu.memory_space<vmem>>) target(%dma_start3A_53 : memref<10240x128xf32, #tpu.memory_space<vmem_shared>>) offsets(%arg14 : memref<128xi32, #tpu.memory_space<vmem>>) semaphore(%run_scoped3A : memref<!tpu.dma_semaphore, #tpu.memory_space<semaphore_mem>>) {add = true}
        %dma_wait3A_54 = arith.constant 0 : i32
        %dma_wait3A_55 = arith.constant 0 : i32
        %dma_wait3A_56 = tpu.memref_slice %arg17[%dma_wait3A_54, %dma_wait3A_55] : memref<10240x128xf32, #tpu.memory_space<vmem_shared>> -> memref<10240x128xf32, #tpu.memory_space<vmem_shared>>
        tpu.wait_indirect_dma semaphore(%run_scoped3A : memref<!tpu.dma_semaphore, #tpu.memory_space<semaphore_mem>>) src(%arg15 : memref<128x128xf32, #tpu.memory_space<vmem>>) dst(%dma_wait3A_56 : memref<10240x128xf32, #tpu.memory_space<vmem_shared>>)
        tpu.yield
      }) : () -> ()
      "tpu.region"() ({
        %run_scoped3A = tpu.sem_alloc : memref<!tpu.dma_semaphore, #tpu.memory_space<semaphore_mem>>
        %dma_start3A_51 = arith.constant 0 : i32
        %dma_start3A_52 = tpu.memref_slice %arg18[%dma_start3A_51] : memref<10240xf32, #tpu.memory_space<vmem_shared>> -> memref<10240xf32, #tpu.memory_space<vmem_shared>>
        tpu.enqueue_indirect_dma source(%arg16 : memref<128xf32, #tpu.memory_space<vmem>>) target(%dma_start3A_52 : memref<10240xf32, #tpu.memory_space<vmem_shared>>) offsets(%arg14 : memref<128xi32, #tpu.memory_space<vmem>>) semaphore(%run_scoped3A : memref<!tpu.dma_semaphore, #tpu.memory_space<semaphore_mem>>) {add = true}
        %dma_wait3A_53 = arith.constant 0 : i32
        %dma_wait3A_54 = tpu.memref_slice %arg18[%dma_wait3A_53] : memref<10240xf32, #tpu.memory_space<vmem_shared>> -> memref<10240xf32, #tpu.memory_space<vmem_shared>>
        tpu.wait_indirect_dma semaphore(%run_scoped3A : memref<!tpu.dma_semaphore, #tpu.memory_space<semaphore_mem>>) src(%arg16 : memref<128xf32, #tpu.memory_space<vmem>>) dst(%dma_wait3A_54 : memref<10240xf32, #tpu.memory_space<vmem_shared>>)
        tpu.yield
      }) : () -> ()
      %scan3A_50 = arith.constant 0 : i32
      scf.yield %scan3A_50 : i32
    }
    %scan3A_16 = arith.constant 79 : i32
    %barrier3A_17 = arith.constant 0 : index
    tpu.barrier barrier_id(%barrier3A_17)
    %mul3A_18 = arith.constant 640 : i32
    %mul3A_19 = arith.muli %arg1, %mul3A_18 : i32
    %mul3A_20 = arith.constant 640 : i32
    %mul3A_21 = arith.muli %arg1, %mul3A_20 : i32
    "tpu.region"() ({
      %run_scoped3A = tpu.sem_alloc : memref<!tpu.dma_semaphore, #tpu.memory_space<semaphore_mem>>
      %dma_start3A_26 = arith.constant 0 : i32
      %dma_start3A_27 = tpu.memref_slice %arg8[%arg0, %mul3A_21, %dma_start3A_26] : memref<2x10240x128xf32, #tpu.memory_space<hbm>> -> memref<1x640x128xf32, #tpu.memory_space<hbm>>
      %dma_start3A_28 = tpu.memref_squeeze %dma_start3A_27 : memref<1x640x128xf32, #tpu.memory_space<hbm>> -> memref<640x128xf32, #tpu.memory_space<hbm>>
      %dma_start3A_29 = arith.constant 0 : i32
      %dma_start3A_30 = tpu.memref_slice %arg17[%mul3A_19, %dma_start3A_29] : memref<10240x128xf32, #tpu.memory_space<vmem_shared>> -> memref<640x128xf32, #tpu.memory_space<vmem_shared>>
      tpu.enqueue_dma source(%dma_start3A_30 : memref<640x128xf32, #tpu.memory_space<vmem_shared>>) target(%dma_start3A_28 : memref<640x128xf32, #tpu.memory_space<hbm>>) target_semaphore(%run_scoped3A : memref<!tpu.dma_semaphore, #tpu.memory_space<semaphore_mem>>)
      %dma_wait3A = arith.constant 0 : i32
      %dma_wait3A_31 = tpu.memref_slice %arg8[%arg0, %mul3A_21, %dma_wait3A] : memref<2x10240x128xf32, #tpu.memory_space<hbm>> -> memref<1x640x128xf32, #tpu.memory_space<hbm>>
      %dma_wait3A_32 = tpu.memref_squeeze %dma_wait3A_31 : memref<1x640x128xf32, #tpu.memory_space<hbm>> -> memref<640x128xf32, #tpu.memory_space<hbm>>
      %dma_wait3A_33 = arith.constant 0 : i32
      %dma_wait3A_34 = tpu.memref_slice %arg17[%mul3A_19, %dma_wait3A_33] : memref<10240x128xf32, #tpu.memory_space<vmem_shared>> -> memref<640x128xf32, #tpu.memory_space<vmem_shared>>
      tpu.wait_dma2 semaphore(%run_scoped3A : memref<!tpu.dma_semaphore, #tpu.memory_space<semaphore_mem>>) src(%dma_wait3A_34 : memref<640x128xf32, #tpu.memory_space<vmem_shared>>) dst(%dma_wait3A_32 : memref<640x128xf32, #tpu.memory_space<hbm>>)
      tpu.yield
    }) : () -> ()
    %mul3A_22 = arith.constant 640 : i32
    %mul3A_23 = arith.muli %arg1, %mul3A_22 : i32
    %mul3A_24 = arith.constant 640 : i32
    %mul3A_25 = arith.muli %arg1, %mul3A_24 : i32
    "tpu.region"() ({
      %run_scoped3A = tpu.sem_alloc : memref<!tpu.dma_semaphore, #tpu.memory_space<semaphore_mem>>
      %dma_start3A_26 = tpu.memref_slice %arg9[%arg0, %mul3A_25] : memref<2x10240xf32, #tpu.memory_space<hbm>> -> memref<1x640xf32, #tpu.memory_space<hbm>>
      %dma_start3A_27 = tpu.memref_squeeze %dma_start3A_26 : memref<1x640xf32, #tpu.memory_space<hbm>> -> memref<640xf32, #tpu.memory_space<hbm>>
      %dma_start3A_28 = tpu.memref_slice %arg18[%mul3A_23] : memref<10240xf32, #tpu.memory_space<vmem_shared>> -> memref<640xf32, #tpu.memory_space<vmem_shared>>
      tpu.enqueue_dma source(%dma_start3A_28 : memref<640xf32, #tpu.memory_space<vmem_shared>>) target(%dma_start3A_27 : memref<640xf32, #tpu.memory_space<hbm>>) target_semaphore(%run_scoped3A : memref<!tpu.dma_semaphore, #tpu.memory_space<semaphore_mem>>)
      %dma_wait3A = tpu.memref_slice %arg9[%arg0, %mul3A_25] : memref<2x10240xf32, #tpu.memory_space<hbm>> -> memref<1x640xf32, #tpu.memory_space<hbm>>
      %dma_wait3A_29 = tpu.memref_squeeze %dma_wait3A : memref<1x640xf32, #tpu.memory_space<hbm>> -> memref<640xf32, #tpu.memory_space<hbm>>
      %dma_wait3A_30 = tpu.memref_slice %arg18[%mul3A_23] : memref<10240xf32, #tpu.memory_space<vmem_shared>> -> memref<640xf32, #tpu.memory_space<vmem_shared>>
      tpu.wait_dma2 semaphore(%run_scoped3A : memref<!tpu.dma_semaphore, #tpu.memory_space<semaphore_mem>>) src(%dma_wait3A_30 : memref<640xf32, #tpu.memory_space<vmem_shared>>) dst(%dma_wait3A_29 : memref<640xf32, #tpu.memory_space<hbm>>)
      tpu.yield
    }) : () -> ()
    return
  }
}

#map = affine_map<(d0, d1) -> (0, 0)>
#map1 = affine_map<(d0, d1) -> (0)>
#map2 = affine_map<(d0, d1) -> (0, 0, 0)>
module attributes {stable_mosaic.version = 14 : i64} {
  func.func @_sc_edge_body(%arg0: i32, %arg1: i32, %arg2: memref<163840x128xf32, #tpu.memory_space<hbm>>, %arg3: memref<647168xi32, #tpu.memory_space<hbm>>, %arg4: memref<647168xi32, #tpu.memory_space<hbm>>, %arg5: memref<640x128xf32, #tpu.memory_space<hbm>>, %arg6: memref<640xf32, #tpu.memory_space<hbm>>, %arg7: memref<128xf32, #tpu.memory_space<hbm>>, %arg8: memref<2x10240x128xf32, #tpu.memory_space<hbm>>, %arg9: memref<128xi32, #tpu.memory_space<vmem>>, %arg10: memref<128xi32, #tpu.memory_space<vmem>>, %arg11: memref<128x128xf32, #tpu.memory_space<vmem>>, %arg12: memref<128xi32, #tpu.memory_space<vmem>>, %arg13: memref<128xi32, #tpu.memory_space<vmem>>, %arg14: memref<128x128xf32, #tpu.memory_space<vmem>>, %arg15: memref<10240x128xf32, #tpu.memory_space<vmem_shared>>, %arg16: memref<!tpu.dma_semaphore, #tpu.memory_space<semaphore_mem>>, %arg17: memref<!tpu.dma_semaphore, #tpu.memory_space<semaphore_mem>>) attributes {dimension_semantics = [#tpu.dimension_semantics<core_parallel>, #tpu.dimension_semantics<subcore_parallel>], iteration_bounds = array<i64: 2, 16>, scalar_prefetch = 0 : i64, scratch_operands = 9 : i64, tpu.core_type = #tpu.core_type<sc_vector_subcore>, window_params = [{transform_indices = #map}, {transform_indices = #map1}, {transform_indices = #map1}, {transform_indices = #map}, {transform_indices = #map1}, {transform_indices = #map1}, {transform_indices = #map2}]} {
    %mul3A = arith.constant 16 : i32
    %mul3A_0 = arith.muli %arg0, %mul3A : i32
    %add3A = arith.addi %mul3A_0, %arg1 : i32
    %mul3A_1 = arith.constant 640 : i32
    %mul3A_2 = arith.muli %arg1, %mul3A_1 : i32
    "tpu.region"() ({
      %run_scoped3A = tpu.sem_alloc : memref<!tpu.dma_semaphore, #tpu.memory_space<semaphore_mem>>
      %dma_start3A_20 = arith.constant 0 : i32
      %dma_start3A_21 = tpu.memref_slice %arg15[%mul3A_2, %dma_start3A_20] : memref<10240x128xf32, #tpu.memory_space<vmem_shared>> -> memref<640x128xf32, #tpu.memory_space<vmem_shared>>
      tpu.enqueue_dma source(%arg5 : memref<640x128xf32, #tpu.memory_space<hbm>>) target(%dma_start3A_21 : memref<640x128xf32, #tpu.memory_space<vmem_shared>>) target_semaphore(%run_scoped3A : memref<!tpu.dma_semaphore, #tpu.memory_space<semaphore_mem>>)
      %dma_wait3A = arith.constant 0 : i32
      %dma_wait3A_22 = tpu.memref_slice %arg15[%mul3A_2, %dma_wait3A] : memref<10240x128xf32, #tpu.memory_space<vmem_shared>> -> memref<640x128xf32, #tpu.memory_space<vmem_shared>>
      tpu.wait_dma2 semaphore(%run_scoped3A : memref<!tpu.dma_semaphore, #tpu.memory_space<semaphore_mem>>) src(%arg5 : memref<640x128xf32, #tpu.memory_space<hbm>>) dst(%dma_wait3A_22 : memref<640x128xf32, #tpu.memory_space<vmem_shared>>)
      tpu.yield
    }) : () -> ()
    %barrier3A = arith.constant 0 : index
    tpu.barrier barrier_id(%barrier3A)
    %mul3A_3 = arith.constant 20224 : i32
    %mul3A_4 = arith.muli %add3A, %mul3A_3 : i32
    %add3A_5 = arith.constant 0 : i32
    %add3A_6 = arith.addi %mul3A_4, %add3A_5 : i32
    "tpu.region"() ({
      %run_scoped3A = tpu.sem_alloc : memref<!tpu.dma_semaphore, #tpu.memory_space<semaphore_mem>>
      %dma_start3A_20 = tpu.memref_slice %arg3[%add3A_6] : memref<647168xi32, #tpu.memory_space<hbm>> -> memref<128xi32, #tpu.memory_space<hbm>>
      %dma_start3A_21 = tpu.memref_slice %arg3[%add3A_6] : memref<647168xi32, #tpu.memory_space<hbm>> -> memref<128xi32, #tpu.memory_space<hbm>>
      tpu.enqueue_dma source(%dma_start3A_21 : memref<128xi32, #tpu.memory_space<hbm>>) target(%arg9 : memref<128xi32, #tpu.memory_space<vmem>>) target_semaphore(%run_scoped3A : memref<!tpu.dma_semaphore, #tpu.memory_space<semaphore_mem>>)
      %dma_wait3A = tpu.memref_slice %arg3[%add3A_6] : memref<647168xi32, #tpu.memory_space<hbm>> -> memref<128xi32, #tpu.memory_space<hbm>>
      %dma_wait3A_22 = tpu.memref_slice %arg3[%add3A_6] : memref<647168xi32, #tpu.memory_space<hbm>> -> memref<128xi32, #tpu.memory_space<hbm>>
      tpu.wait_dma2 semaphore(%run_scoped3A : memref<!tpu.dma_semaphore, #tpu.memory_space<semaphore_mem>>) src(%dma_wait3A_22 : memref<128xi32, #tpu.memory_space<hbm>>) dst(%arg9 : memref<128xi32, #tpu.memory_space<vmem>>)
      tpu.yield
    }) : () -> ()
    "tpu.region"() ({
      %run_scoped3A = tpu.sem_alloc : memref<!tpu.dma_semaphore, #tpu.memory_space<semaphore_mem>>
      %dma_start3A_20 = tpu.memref_slice %arg4[%add3A_6] : memref<647168xi32, #tpu.memory_space<hbm>> -> memref<128xi32, #tpu.memory_space<hbm>>
      %dma_start3A_21 = tpu.memref_slice %arg4[%add3A_6] : memref<647168xi32, #tpu.memory_space<hbm>> -> memref<128xi32, #tpu.memory_space<hbm>>
      tpu.enqueue_dma source(%dma_start3A_21 : memref<128xi32, #tpu.memory_space<hbm>>) target(%arg10 : memref<128xi32, #tpu.memory_space<vmem>>) target_semaphore(%run_scoped3A : memref<!tpu.dma_semaphore, #tpu.memory_space<semaphore_mem>>)
      %dma_wait3A = tpu.memref_slice %arg4[%add3A_6] : memref<647168xi32, #tpu.memory_space<hbm>> -> memref<128xi32, #tpu.memory_space<hbm>>
      %dma_wait3A_22 = tpu.memref_slice %arg4[%add3A_6] : memref<647168xi32, #tpu.memory_space<hbm>> -> memref<128xi32, #tpu.memory_space<hbm>>
      tpu.wait_dma2 semaphore(%run_scoped3A : memref<!tpu.dma_semaphore, #tpu.memory_space<semaphore_mem>>) src(%dma_wait3A_22 : memref<128xi32, #tpu.memory_space<hbm>>) dst(%arg10 : memref<128xi32, #tpu.memory_space<vmem>>)
      tpu.yield
    }) : () -> ()
    %dma_start3A = arith.constant 0 : i32
    %dma_start3A_7 = arith.constant 0 : i32
    %dma_start3A_8 = tpu.memref_slice %arg2[%dma_start3A, %dma_start3A_7] : memref<163840x128xf32, #tpu.memory_space<hbm>> -> memref<163840x128xf32, #tpu.memory_space<hbm>>
    tpu.enqueue_indirect_dma source(%dma_start3A_8 : memref<163840x128xf32, #tpu.memory_space<hbm>>) target(%arg11 : memref<128x128xf32, #tpu.memory_space<vmem>>) offsets(%arg9 : memref<128xi32, #tpu.memory_space<vmem>>) semaphore(%arg16 : memref<!tpu.dma_semaphore, #tpu.memory_space<semaphore_mem>>)
    %scan3A = arith.constant 0 : i32
    %scan3A_9 = arith.constant 0 : i32
    %scan3A_10 = arith.constant 79 : i32
    %scan3A_11 = arith.addi %scan3A_9, %scan3A_10 : i32
    %scan3A_12 = arith.constant 1 : i32
    %scan3A_13 = scf.for %scan3A_20 = %scan3A_9 to %scan3A_11 step %scan3A_12 iter_args(%scan3A_21 = %scan3A) -> (i32)  : i32 {
      %mul3A_22 = arith.constant 2 : i32
      %mul3A_23 = arith.muli %mul3A_22, %scan3A_20 : i32
      %add3A_24 = arith.constant 1 : i32
      %add3A_25 = arith.addi %mul3A_23, %add3A_24 : i32
      %mul3A_26 = arith.constant 20224 : i32
      %mul3A_27 = arith.muli %add3A, %mul3A_26 : i32
      %mul3A_28 = arith.constant 128 : i32
      %mul3A_29 = arith.muli %add3A_25, %mul3A_28 : i32
      %add3A_30 = arith.addi %mul3A_27, %mul3A_29 : i32
      "tpu.region"() ({
        %run_scoped3A = tpu.sem_alloc : memref<!tpu.dma_semaphore, #tpu.memory_space<semaphore_mem>>
        %dma_start3A_45 = tpu.memref_slice %arg3[%add3A_30] : memref<647168xi32, #tpu.memory_space<hbm>> -> memref<128xi32, #tpu.memory_space<hbm>>
        %dma_start3A_46 = tpu.memref_slice %arg3[%add3A_30] : memref<647168xi32, #tpu.memory_space<hbm>> -> memref<128xi32, #tpu.memory_space<hbm>>
        tpu.enqueue_dma source(%dma_start3A_46 : memref<128xi32, #tpu.memory_space<hbm>>) target(%arg12 : memref<128xi32, #tpu.memory_space<vmem>>) target_semaphore(%run_scoped3A : memref<!tpu.dma_semaphore, #tpu.memory_space<semaphore_mem>>)
        %dma_wait3A_47 = tpu.memref_slice %arg3[%add3A_30] : memref<647168xi32, #tpu.memory_space<hbm>> -> memref<128xi32, #tpu.memory_space<hbm>>
        %dma_wait3A_48 = tpu.memref_slice %arg3[%add3A_30] : memref<647168xi32, #tpu.memory_space<hbm>> -> memref<128xi32, #tpu.memory_space<hbm>>
        tpu.wait_dma2 semaphore(%run_scoped3A : memref<!tpu.dma_semaphore, #tpu.memory_space<semaphore_mem>>) src(%dma_wait3A_48 : memref<128xi32, #tpu.memory_space<hbm>>) dst(%arg12 : memref<128xi32, #tpu.memory_space<vmem>>)
        tpu.yield
      }) : () -> ()
      "tpu.region"() ({
        %run_scoped3A = tpu.sem_alloc : memref<!tpu.dma_semaphore, #tpu.memory_space<semaphore_mem>>
        %dma_start3A_45 = tpu.memref_slice %arg4[%add3A_30] : memref<647168xi32, #tpu.memory_space<hbm>> -> memref<128xi32, #tpu.memory_space<hbm>>
        %dma_start3A_46 = tpu.memref_slice %arg4[%add3A_30] : memref<647168xi32, #tpu.memory_space<hbm>> -> memref<128xi32, #tpu.memory_space<hbm>>
        tpu.enqueue_dma source(%dma_start3A_46 : memref<128xi32, #tpu.memory_space<hbm>>) target(%arg13 : memref<128xi32, #tpu.memory_space<vmem>>) target_semaphore(%run_scoped3A : memref<!tpu.dma_semaphore, #tpu.memory_space<semaphore_mem>>)
        %dma_wait3A_47 = tpu.memref_slice %arg4[%add3A_30] : memref<647168xi32, #tpu.memory_space<hbm>> -> memref<128xi32, #tpu.memory_space<hbm>>
        %dma_wait3A_48 = tpu.memref_slice %arg4[%add3A_30] : memref<647168xi32, #tpu.memory_space<hbm>> -> memref<128xi32, #tpu.memory_space<hbm>>
        tpu.wait_dma2 semaphore(%run_scoped3A : memref<!tpu.dma_semaphore, #tpu.memory_space<semaphore_mem>>) src(%dma_wait3A_48 : memref<128xi32, #tpu.memory_space<hbm>>) dst(%arg13 : memref<128xi32, #tpu.memory_space<vmem>>)
        tpu.yield
      }) : () -> ()
      %dma_start3A_31 = arith.constant 0 : i32
      %dma_start3A_32 = arith.constant 0 : i32
      %dma_start3A_33 = tpu.memref_slice %arg2[%dma_start3A_31, %dma_start3A_32] : memref<163840x128xf32, #tpu.memory_space<hbm>> -> memref<163840x128xf32, #tpu.memory_space<hbm>>
      tpu.enqueue_indirect_dma source(%dma_start3A_33 : memref<163840x128xf32, #tpu.memory_space<hbm>>) target(%arg14 : memref<128x128xf32, #tpu.memory_space<vmem>>) offsets(%arg12 : memref<128xi32, #tpu.memory_space<vmem>>) semaphore(%arg17 : memref<!tpu.dma_semaphore, #tpu.memory_space<semaphore_mem>>)
      %dma_wait3A = arith.constant 0 : i32
      %dma_wait3A_34 = arith.constant 0 : i32
      %dma_wait3A_35 = tpu.memref_slice %arg2[%dma_wait3A, %dma_wait3A_34] : memref<163840x128xf32, #tpu.memory_space<hbm>> -> memref<128x128xf32, #tpu.memory_space<hbm>>
      %dma_wait3A_36 = arith.constant 0 : i32
      %dma_wait3A_37 = arith.constant 0 : i32
      %dma_wait3A_38 = tpu.memref_slice %arg2[%dma_wait3A_36, %dma_wait3A_37] : memref<163840x128xf32, #tpu.memory_space<hbm>> -> memref<128x128xf32, #tpu.memory_space<hbm>>
      tpu.wait_dma2 semaphore(%arg16 : memref<!tpu.dma_semaphore, #tpu.memory_space<semaphore_mem>>) src(%dma_wait3A_38 : memref<128x128xf32, #tpu.memory_space<hbm>>) dst(%arg11 : memref<128x128xf32, #tpu.memory_space<vmem>>)
      "tpu.region"() ({
        %run_scoped3A = tpu.sem_alloc : memref<!tpu.dma_semaphore, #tpu.memory_space<semaphore_mem>>
        %dma_start3A_45 = arith.constant 0 : i32
        %dma_start3A_46 = arith.constant 0 : i32
        %dma_start3A_47 = tpu.memref_slice %arg15[%dma_start3A_45, %dma_start3A_46] : memref<10240x128xf32, #tpu.memory_space<vmem_shared>> -> memref<10240x128xf32, #tpu.memory_space<vmem_shared>>
        tpu.enqueue_indirect_dma source(%arg11 : memref<128x128xf32, #tpu.memory_space<vmem>>) target(%dma_start3A_47 : memref<10240x128xf32, #tpu.memory_space<vmem_shared>>) offsets(%arg10 : memref<128xi32, #tpu.memory_space<vmem>>) semaphore(%run_scoped3A : memref<!tpu.dma_semaphore, #tpu.memory_space<semaphore_mem>>) {add = true}
        %dma_wait3A_48 = arith.constant 0 : i32
        %dma_wait3A_49 = arith.constant 0 : i32
        %dma_wait3A_50 = tpu.memref_slice %arg15[%dma_wait3A_48, %dma_wait3A_49] : memref<10240x128xf32, #tpu.memory_space<vmem_shared>> -> memref<10240x128xf32, #tpu.memory_space<vmem_shared>>
        tpu.wait_indirect_dma semaphore(%run_scoped3A : memref<!tpu.dma_semaphore, #tpu.memory_space<semaphore_mem>>) src(%arg11 : memref<128x128xf32, #tpu.memory_space<vmem>>) dst(%dma_wait3A_50 : memref<10240x128xf32, #tpu.memory_space<vmem_shared>>)
        tpu.yield
      }) : () -> ()
      %lt3A = arith.constant 78 : i32
      %lt3A_39 = arith.cmpi slt, %scan3A_20, %lt3A : i32
      %convert_element_type3A = arith.extui %lt3A_39 : i1 to i32
      %cond3A = arith.constant 0 : i32
      %cond3A_40 = arith.cmpi ne, %convert_element_type3A, %cond3A : i32
      scf.if %cond3A_40 {
        %mul3A_45 = arith.constant 2 : i32
        %mul3A_46 = arith.muli %mul3A_45, %scan3A_20 : i32
        %add3A_47 = arith.constant 2 : i32
        %add3A_48 = arith.addi %mul3A_46, %add3A_47 : i32
        %mul3A_49 = arith.constant 20224 : i32
        %mul3A_50 = arith.muli %add3A, %mul3A_49 : i32
        %mul3A_51 = arith.constant 128 : i32
        %mul3A_52 = arith.muli %add3A_48, %mul3A_51 : i32
        %add3A_53 = arith.addi %mul3A_50, %mul3A_52 : i32
        "tpu.region"() ({
          %run_scoped3A = tpu.sem_alloc : memref<!tpu.dma_semaphore, #tpu.memory_space<semaphore_mem>>
          %dma_start3A_57 = tpu.memref_slice %arg3[%add3A_53] : memref<647168xi32, #tpu.memory_space<hbm>> -> memref<128xi32, #tpu.memory_space<hbm>>
          %dma_start3A_58 = tpu.memref_slice %arg3[%add3A_53] : memref<647168xi32, #tpu.memory_space<hbm>> -> memref<128xi32, #tpu.memory_space<hbm>>
          tpu.enqueue_dma source(%dma_start3A_58 : memref<128xi32, #tpu.memory_space<hbm>>) target(%arg9 : memref<128xi32, #tpu.memory_space<vmem>>) target_semaphore(%run_scoped3A : memref<!tpu.dma_semaphore, #tpu.memory_space<semaphore_mem>>)
          %dma_wait3A_59 = tpu.memref_slice %arg3[%add3A_53] : memref<647168xi32, #tpu.memory_space<hbm>> -> memref<128xi32, #tpu.memory_space<hbm>>
          %dma_wait3A_60 = tpu.memref_slice %arg3[%add3A_53] : memref<647168xi32, #tpu.memory_space<hbm>> -> memref<128xi32, #tpu.memory_space<hbm>>
          tpu.wait_dma2 semaphore(%run_scoped3A : memref<!tpu.dma_semaphore, #tpu.memory_space<semaphore_mem>>) src(%dma_wait3A_60 : memref<128xi32, #tpu.memory_space<hbm>>) dst(%arg9 : memref<128xi32, #tpu.memory_space<vmem>>)
          tpu.yield
        }) : () -> ()
        "tpu.region"() ({
          %run_scoped3A = tpu.sem_alloc : memref<!tpu.dma_semaphore, #tpu.memory_space<semaphore_mem>>
          %dma_start3A_57 = tpu.memref_slice %arg4[%add3A_53] : memref<647168xi32, #tpu.memory_space<hbm>> -> memref<128xi32, #tpu.memory_space<hbm>>
          %dma_start3A_58 = tpu.memref_slice %arg4[%add3A_53] : memref<647168xi32, #tpu.memory_space<hbm>> -> memref<128xi32, #tpu.memory_space<hbm>>
          tpu.enqueue_dma source(%dma_start3A_58 : memref<128xi32, #tpu.memory_space<hbm>>) target(%arg10 : memref<128xi32, #tpu.memory_space<vmem>>) target_semaphore(%run_scoped3A : memref<!tpu.dma_semaphore, #tpu.memory_space<semaphore_mem>>)
          %dma_wait3A_59 = tpu.memref_slice %arg4[%add3A_53] : memref<647168xi32, #tpu.memory_space<hbm>> -> memref<128xi32, #tpu.memory_space<hbm>>
          %dma_wait3A_60 = tpu.memref_slice %arg4[%add3A_53] : memref<647168xi32, #tpu.memory_space<hbm>> -> memref<128xi32, #tpu.memory_space<hbm>>
          tpu.wait_dma2 semaphore(%run_scoped3A : memref<!tpu.dma_semaphore, #tpu.memory_space<semaphore_mem>>) src(%dma_wait3A_60 : memref<128xi32, #tpu.memory_space<hbm>>) dst(%arg10 : memref<128xi32, #tpu.memory_space<vmem>>)
          tpu.yield
        }) : () -> ()
        %dma_start3A_54 = arith.constant 0 : i32
        %dma_start3A_55 = arith.constant 0 : i32
        %dma_start3A_56 = tpu.memref_slice %arg2[%dma_start3A_54, %dma_start3A_55] : memref<163840x128xf32, #tpu.memory_space<hbm>> -> memref<163840x128xf32, #tpu.memory_space<hbm>>
        tpu.enqueue_indirect_dma source(%dma_start3A_56 : memref<163840x128xf32, #tpu.memory_space<hbm>>) target(%arg11 : memref<128x128xf32, #tpu.memory_space<vmem>>) offsets(%arg9 : memref<128xi32, #tpu.memory_space<vmem>>) semaphore(%arg16 : memref<!tpu.dma_semaphore, #tpu.memory_space<semaphore_mem>>)
      } else {
      }
      %dma_wait3A_41 = arith.constant 0 : i32
      %dma_wait3A_42 = arith.constant 0 : i32
      %dma_wait3A_43 = tpu.memref_slice %arg2[%dma_wait3A_41, %dma_wait3A_42] : memref<163840x128xf32, #tpu.memory_space<hbm>> -> memref<163840x128xf32, #tpu.memory_space<hbm>>
      tpu.wait_indirect_dma semaphore(%arg17 : memref<!tpu.dma_semaphore, #tpu.memory_space<semaphore_mem>>) src(%dma_wait3A_43 : memref<163840x128xf32, #tpu.memory_space<hbm>>) dst(%arg14 : memref<128x128xf32, #tpu.memory_space<vmem>>)
      "tpu.region"() ({
        %run_scoped3A = tpu.sem_alloc : memref<!tpu.dma_semaphore, #tpu.memory_space<semaphore_mem>>
        %dma_start3A_45 = arith.constant 0 : i32
        %dma_start3A_46 = arith.constant 0 : i32
        %dma_start3A_47 = tpu.memref_slice %arg15[%dma_start3A_45, %dma_start3A_46] : memref<10240x128xf32, #tpu.memory_space<vmem_shared>> -> memref<10240x128xf32, #tpu.memory_space<vmem_shared>>
        tpu.enqueue_indirect_dma source(%arg14 : memref<128x128xf32, #tpu.memory_space<vmem>>) target(%dma_start3A_47 : memref<10240x128xf32, #tpu.memory_space<vmem_shared>>) offsets(%arg13 : memref<128xi32, #tpu.memory_space<vmem>>) semaphore(%run_scoped3A : memref<!tpu.dma_semaphore, #tpu.memory_space<semaphore_mem>>) {add = true}
        %dma_wait3A_48 = arith.constant 0 : i32
        %dma_wait3A_49 = arith.constant 0 : i32
        %dma_wait3A_50 = tpu.memref_slice %arg15[%dma_wait3A_48, %dma_wait3A_49] : memref<10240x128xf32, #tpu.memory_space<vmem_shared>> -> memref<10240x128xf32, #tpu.memory_space<vmem_shared>>
        tpu.wait_indirect_dma semaphore(%run_scoped3A : memref<!tpu.dma_semaphore, #tpu.memory_space<semaphore_mem>>) src(%arg14 : memref<128x128xf32, #tpu.memory_space<vmem>>) dst(%dma_wait3A_50 : memref<10240x128xf32, #tpu.memory_space<vmem_shared>>)
        tpu.yield
      }) : () -> ()
      %scan3A_44 = arith.constant 0 : i32
      scf.yield %scan3A_44 : i32
    }
    %scan3A_14 = arith.constant 79 : i32
    %barrier3A_15 = arith.constant 0 : index
    tpu.barrier barrier_id(%barrier3A_15)
    %mul3A_16 = arith.constant 640 : i32
    %mul3A_17 = arith.muli %arg1, %mul3A_16 : i32
    %mul3A_18 = arith.constant 640 : i32
    %mul3A_19 = arith.muli %arg1, %mul3A_18 : i32
    "tpu.region"() ({
      %run_scoped3A = tpu.sem_alloc : memref<!tpu.dma_semaphore, #tpu.memory_space<semaphore_mem>>
      %dma_start3A_20 = arith.constant 0 : i32
      %dma_start3A_21 = tpu.memref_slice %arg8[%arg0, %mul3A_19, %dma_start3A_20] : memref<2x10240x128xf32, #tpu.memory_space<hbm>> -> memref<1x640x128xf32, #tpu.memory_space<hbm>>
      %dma_start3A_22 = tpu.memref_squeeze %dma_start3A_21 : memref<1x640x128xf32, #tpu.memory_space<hbm>> -> memref<640x128xf32, #tpu.memory_space<hbm>>
      %dma_start3A_23 = arith.constant 0 : i32
      %dma_start3A_24 = tpu.memref_slice %arg15[%mul3A_17, %dma_start3A_23] : memref<10240x128xf32, #tpu.memory_space<vmem_shared>> -> memref<640x128xf32, #tpu.memory_space<vmem_shared>>
      tpu.enqueue_dma source(%dma_start3A_24 : memref<640x128xf32, #tpu.memory_space<vmem_shared>>) target(%dma_start3A_22 : memref<640x128xf32, #tpu.memory_space<hbm>>) target_semaphore(%run_scoped3A : memref<!tpu.dma_semaphore, #tpu.memory_space<semaphore_mem>>)
      %dma_wait3A = arith.constant 0 : i32
      %dma_wait3A_25 = tpu.memref_slice %arg8[%arg0, %mul3A_19, %dma_wait3A] : memref<2x10240x128xf32, #tpu.memory_space<hbm>> -> memref<1x640x128xf32, #tpu.memory_space<hbm>>
      %dma_wait3A_26 = tpu.memref_squeeze %dma_wait3A_25 : memref<1x640x128xf32, #tpu.memory_space<hbm>> -> memref<640x128xf32, #tpu.memory_space<hbm>>
      %dma_wait3A_27 = arith.constant 0 : i32
      %dma_wait3A_28 = tpu.memref_slice %arg15[%mul3A_17, %dma_wait3A_27] : memref<10240x128xf32, #tpu.memory_space<vmem_shared>> -> memref<640x128xf32, #tpu.memory_space<vmem_shared>>
      tpu.wait_dma2 semaphore(%run_scoped3A : memref<!tpu.dma_semaphore, #tpu.memory_space<semaphore_mem>>) src(%dma_wait3A_28 : memref<640x128xf32, #tpu.memory_space<vmem_shared>>) dst(%dma_wait3A_26 : memref<640x128xf32, #tpu.memory_space<hbm>>)
      tpu.yield
    }) : () -> ()
    return
  }
}

module attributes {stable_mosaic.version = 14 : i64} {
  func.func @_tc_xrel_body(%arg0: i32, %arg1: i32, %arg2: memref<512x128xf32, #tpu.memory_space<vmem>>, %arg3: memref<5x128x128xf32, #tpu.memory_space<vmem>>, %arg4: memref<16x5xf32, #tpu.memory_space<vmem>>, %arg5: memref<1x512x128xf32, #tpu.memory_space<vmem>>) attributes {dimension_semantics = [#tpu.dimension_semantics<arbitrary>, #tpu.dimension_semantics<arbitrary>], iteration_bounds = array<i64: 16, 20>, scalar_prefetch = 0 : i64, scratch_operands = 0 : i64, tpu.core_type = #tpu.core_type<tc>, window_params = [{transform_indices = @transform_0, window_bounds = array<i64: 512, 128>}, {pipeline_mode = #tpu.pipeline_mode<synchronous>, transform_indices = @transform_1, window_bounds = array<i64: 5, 128, 128>}, {pipeline_mode = #tpu.pipeline_mode<synchronous>, transform_indices = @transform_2, window_bounds = array<i64: 16, 5>}, {transform_indices = @transform_3, window_bounds = array<i64: 1, 512, 128>}]} {
    %iota3A = tpu.iota {dimensions = array<i32: 0>} : vector<16x1xi32>
    %eq3A = vector.broadcast %arg0 : i32 to vector<16x1xi32>
    %eq3A_0 = arith.cmpi eq, %iota3A, %eq3A : vector<16x1xi32>
    %convert_element_type3A = arith.extui %eq3A_0 : vector<16x1xi1> to vector<16x1xi32>
    %convert_element_type3A_1 = arith.sitofp %convert_element_type3A : vector<16x1xi32> to vector<16x1xf32>
    %get3A = arith.constant 0 : index
    %get3A_2 = arith.constant 0 : index
    %get3A_3 = vector.load %arg4[%get3A, %get3A_2] : memref<16x5xf32, #tpu.memory_space<vmem>>, vector<16x5xf32>
    %mul3A = vector.broadcast %convert_element_type3A_1 : vector<16x1xf32> to vector<16x5xf32>
    %mul3A_4 = arith.mulf %get3A_3, %mul3A : vector<16x5xf32>
    %reduce_sum3A = arith.constant dense<0.000000e+00> : vector<5xf32>
    %reduce_sum3A_5 = vector.multi_reduction <add>, %mul3A_4, %reduce_sum3A [0] : vector<16x5xf32> to vector<5xf32>
    %get3A_6 = arith.constant 0 : index
    %get3A_7 = arith.constant 0 : index
    %get3A_8 = arith.constant 0 : index
    %get3A_9 = vector.load %arg3[%get3A_6, %get3A_7, %get3A_8] : memref<5x128x128xf32, #tpu.memory_space<vmem>>, vector<5x128x128xf32>
    %dot_general3A = arith.constant dense<0.000000e+00> : vector<128x128xf32>
    %dot_general3A_10 = tpu.matmul %reduce_sum3A_5, %get3A_9, %dot_general3A {dimension_numbers = #tpu.dot_dimension_numbers<[0], [0], [], [1, 2], [1, 1, 1, 2], [], []>, transpose_lhs_hint = false} : vector<5xf32>, vector<5x128x128xf32>, vector<128x128xf32> -> vector<128x128xf32>
    %get3A_11 = arith.constant 0 : index
    %get3A_12 = arith.constant 0 : index
    %get3A_13 = vector.load %arg2[%get3A_11, %get3A_12] : memref<512x128xf32, #tpu.memory_space<vmem>>, vector<512x128xf32>
    %dot_general3A_14 = arith.constant dense<0.000000e+00> : vector<512x128xf32>
    %dot_general3A_15 = tpu.matmul %get3A_13, %dot_general3A_10, %dot_general3A_14 {dimension_numbers = #tpu.dot_dimension_numbers<[1], [0], [0], [1], [0, 0, 1, 1], [], []>, transpose_lhs_hint = false} : vector<512x128xf32>, vector<128x128xf32>, vector<512x128xf32> -> vector<512x128xf32>
    %swap3A = arith.constant 0 : index
    %swap3A_16 = arith.constant 0 : index
    %swap3A_17 = arith.constant 0 : index
    %swap3A_18 = vector.load %arg5[%swap3A, %swap3A_16, %swap3A_17] : memref<1x512x128xf32, #tpu.memory_space<vmem>>, vector<1x512x128xf32>
    %swap3A_19 = vector.shape_cast %swap3A_18 : vector<1x512x128xf32> to vector<512x128xf32>
    %swap3A_20 = vector.shape_cast %dot_general3A_15 : vector<512x128xf32> to vector<1x512x128xf32>
    tpu.vector_store %arg5[%swap3A, %swap3A_16, %swap3A_17], %swap3A_20 {strides = array<i32>} : memref<1x512x128xf32, #tpu.memory_space<vmem>>, vector<1x512x128xf32>,
    return
  }
  func.func @transform_0(%arg0: i32, %arg1: i32) -> (i32, i32) {
    %c0_i32 = arith.constant 0 : i32
    %c0_i32_0 = arith.constant 0 : i32
    return %arg1, %c0_i32 : i32, i32
  }
  func.func @transform_1(%arg0: i32, %arg1: i32) -> (i32, i32, i32) {
    %c0_i32 = arith.constant 0 : i32
    %c0_i32_0 = arith.constant 0 : i32
    %c0_i32_1 = arith.constant 0 : i32
    %c0_i32_2 = arith.constant 0 : i32
    return %c0_i32, %c0_i32_0, %c0_i32_1 : i32, i32, i32
  }
  func.func @transform_2(%arg0: i32, %arg1: i32) -> (i32, i32) {
    %c0_i32 = arith.constant 0 : i32
    %c0_i32_0 = arith.constant 0 : i32
    %c0_i32_1 = arith.constant 0 : i32
    return %c0_i32, %c0_i32_0 : i32, i32
  }
  func.func @transform_3(%arg0: i32, %arg1: i32) -> (i32, i32, i32) {
    %c0_i32 = arith.constant 0 : i32
    %c0_i32_0 = arith.constant 0 : i32
    return %arg0, %arg1, %c0_i32 : i32, i32, i32
  }
}

module attributes {stable_mosaic.version = 14 : i64} {
  func.func @_tc_combine_body(%arg0: i32, %arg1: memref<2x512x128xf32, #tpu.memory_space<vmem>>, %arg2: memref<2x512xf32, #tpu.memory_space<vmem>>, %arg3: memref<512x128xf32, #tpu.memory_space<vmem>>, %arg4: memref<128x128xf32, #tpu.memory_space<vmem>>, %arg5: memref<512x128xf32, #tpu.memory_space<vmem>>) attributes {dimension_semantics = [#tpu.dimension_semantics<arbitrary>], iteration_bounds = array<i64: 20>, scalar_prefetch = 0 : i64, scratch_operands = 0 : i64, tpu.core_type = #tpu.core_type<tc>, window_params = [{transform_indices = @transform_0, window_bounds = array<i64: 2, 512, 128>}, {transform_indices = @transform_1, window_bounds = array<i64: 2, 512>}, {transform_indices = @transform_2, window_bounds = array<i64: 512, 128>}, {pipeline_mode = #tpu.pipeline_mode<synchronous>, transform_indices = @transform_3, window_bounds = array<i64: 128, 128>}, {transform_indices = @transform_4, window_bounds = array<i64: 512, 128>}]} {
    %get3A = arith.constant 0 : index
    %get3A_0 = arith.constant 0 : index
    %get3A_1 = arith.constant 0 : index
    %get3A_2 = vector.load %arg1[%get3A, %get3A_0, %get3A_1] : memref<2x512x128xf32, #tpu.memory_space<vmem>>, vector<2x512x128xf32>
    %reduce_sum3A = arith.constant dense<0.000000e+00> : vector<512x128xf32>
    %reduce_sum3A_3 = vector.multi_reduction <add>, %get3A_2, %reduce_sum3A [0] : vector<2x512x128xf32> to vector<512x128xf32>
    %get3A_4 = arith.constant 0 : index
    %get3A_5 = arith.constant 0 : index
    %get3A_6 = vector.load %arg2[%get3A_4, %get3A_5] : memref<2x512xf32, #tpu.memory_space<vmem>>, vector<2x512xf32>
    %reduce_sum3A_7 = arith.constant dense<0.000000e+00> : vector<512xf32>
    %reduce_sum3A_8 = vector.multi_reduction <add>, %get3A_6, %reduce_sum3A_7 [0] : vector<2x512xf32> to vector<512xf32>
    %max3A = arith.constant 1.000000e+00 : f32
    %max3A_9 = vector.broadcast %max3A : f32 to vector<512xf32>
    %max3A_10 = arith.maximumf %reduce_sum3A_8, %max3A_9 : vector<512xf32>
    %broadcast_in_dim3A = vector.shape_cast %max3A_10 : vector<512xf32> to vector<512x1xf32>
    %div3A = vector.broadcast %broadcast_in_dim3A : vector<512x1xf32> to vector<512x128xf32>
    %div3A_11 = arith.divf %reduce_sum3A_3, %div3A : vector<512x128xf32>
    %get3A_12 = arith.constant 0 : index
    %get3A_13 = arith.constant 0 : index
    %get3A_14 = vector.load %arg3[%get3A_12, %get3A_13] : memref<512x128xf32, #tpu.memory_space<vmem>>, vector<512x128xf32>
    %get3A_15 = arith.constant 0 : index
    %get3A_16 = arith.constant 0 : index
    %get3A_17 = vector.load %arg4[%get3A_15, %get3A_16] : memref<128x128xf32, #tpu.memory_space<vmem>>, vector<128x128xf32>
    %dot_general3A = arith.constant dense<0.000000e+00> : vector<512x128xf32>
    %dot_general3A_18 = tpu.matmul %get3A_14, %get3A_17, %dot_general3A {dimension_numbers = #tpu.dot_dimension_numbers<[1], [0], [0], [1], [0, 0, 1, 1], [], []>, transpose_lhs_hint = false} : vector<512x128xf32>, vector<128x128xf32>, vector<512x128xf32> -> vector<512x128xf32>
    %add3A = arith.addf %div3A_11, %dot_general3A_18 : vector<512x128xf32>
    %max3A_19 = arith.constant 0.000000e+00 : f32
    %max3A_20 = vector.broadcast %max3A_19 : f32 to vector<512x128xf32>
    %max3A_21 = arith.maximumf %add3A, %max3A_20 : vector<512x128xf32>
    %swap3A = arith.constant 0 : index
    %swap3A_22 = arith.constant 0 : index
    %swap3A_23 = vector.load %arg5[%swap3A, %swap3A_22] : memref<512x128xf32, #tpu.memory_space<vmem>>, vector<512x128xf32>
    tpu.vector_store %arg5[%swap3A, %swap3A_22], %max3A_21 {strides = array<i32>} : memref<512x128xf32, #tpu.memory_space<vmem>>, vector<512x128xf32>,
    return
  }
  func.func @transform_0(%arg0: i32) -> (i32, i32, i32) {
    %c0_i32 = arith.constant 0 : i32
    %c0_i32_0 = arith.constant 0 : i32
    %c0_i32_1 = arith.constant 0 : i32
    return %c0_i32, %arg0, %c0_i32_0 : i32, i32, i32
  }
  func.func @transform_1(%arg0: i32) -> (i32, i32) {
    %c0_i32 = arith.constant 0 : i32
    %c0_i32_0 = arith.constant 0 : i32
    return %c0_i32, %arg0 : i32, i32
  }
  func.func @transform_2(%arg0: i32) -> (i32, i32) {
    %c0_i32 = arith.constant 0 : i32
    %c0_i32_0 = arith.constant 0 : i32
    return %arg0, %c0_i32 : i32, i32
  }
  func.func @transform_3(%arg0: i32) -> (i32, i32) {
    %c0_i32 = arith.constant 0 : i32
    %c0_i32_0 = arith.constant 0 : i32
    %c0_i32_1 = arith.constant 0 : i32
    return %c0_i32, %c0_i32_0 : i32, i32
  }
  func.func @transform_4(%arg0: i32) -> (i32, i32) {
    %c0_i32 = arith.constant 0 : i32
    %c0_i32_0 = arith.constant 0 : i32
    return %arg0, %c0_i32 : i32, i32
  }
}

module attributes {stable_mosaic.version = 14 : i64} {
  func.func @_tc_pool_body(%arg0: i32, %arg1: memref<512x128xf32, #tpu.memory_space<vmem>>, %arg2: memref<512x1xi32, #tpu.memory_space<vmem>>, %arg3: memref<160x1xi32, #tpu.memory_space<vmem>>, %arg4: memref<160x128xf32, #tpu.memory_space<vmem>>, %arg5: memref<32x128xf32, #tpu.memory_space<vmem>>) attributes {dimension_semantics = [#tpu.dimension_semantics<arbitrary>], iteration_bounds = array<i64: 20>, scalar_prefetch = 0 : i64, scratch_operands = 1 : i64, tpu.core_type = #tpu.core_type<tc>, window_params = [{transform_indices = @transform_0, window_bounds = array<i64: 512, 128>}, {transform_indices = @transform_1, window_bounds = array<i64: 512, 1>}, {pipeline_mode = #tpu.pipeline_mode<synchronous>, transform_indices = @transform_2, window_bounds = array<i64: 160, 1>}, {pipeline_mode = #tpu.pipeline_mode<synchronous>, transform_indices = @transform_3, window_bounds = array<i64: 160, 128>}]} {
    %eq3A = arith.constant 0 : i32
    %eq3A_0 = arith.cmpi eq, %arg0, %eq3A : i32
    %convert_element_type3A = arith.extui %eq3A_0 : i1 to i32
    %cond3A = arith.constant 0 : i32
    %cond3A_1 = arith.cmpi ne, %convert_element_type3A, %cond3A : i32
    scf.if %cond3A_1 {
      %broadcast_in_dim3A_406 = arith.constant -1.000000e+00 : f32
      %broadcast_in_dim3A_407 = vector.broadcast %broadcast_in_dim3A_406 : f32 to vector<32x128xf32>
      %swap3A_408 = arith.constant 0 : index
      %swap3A_409 = arith.constant 0 : index
      %swap3A_410 = vector.load %arg5[%swap3A_408, %swap3A_409] : memref<32x128xf32, #tpu.memory_space<vmem>>, vector<32x128xf32>
      tpu.vector_store %arg5[%swap3A_408, %swap3A_409], %broadcast_in_dim3A_407 {strides = array<i32>} : memref<32x128xf32, #tpu.memory_space<vmem>>, vector<32x128xf32>,
    } else {
    }
    %get3A = arith.constant 0 : index
    %get3A_2 = arith.constant 0 : index
    %get3A_3 = vector.load %arg2[%get3A, %get3A_2] : memref<512x1xi32, #tpu.memory_space<vmem>>, vector<512x1xi32>
    %get3A_4 = arith.constant 0 : index
    %get3A_5 = arith.constant 0 : index
    %get3A_6 = vector.load %arg1[%get3A_4, %get3A_5] : memref<512x128xf32, #tpu.memory_space<vmem>>, vector<512x128xf32>
    %eq3A_7 = arith.constant 0 : i32
    %eq3A_8 = vector.broadcast %eq3A_7 : i32 to vector<512x1xi32>
    %eq3A_9 = arith.cmpi eq, %get3A_3, %eq3A_8 : vector<512x1xi32>
    %jit3A = arith.constant -1.000000e+00 : f32
    %broadcast_in_dim3A = vector.shape_cast %eq3A_9 : vector<512x1xi1> to vector<512x1xi1>
    %broadcast_in_dim3A_10 = vector.broadcast %broadcast_in_dim3A : vector<512x1xi1> to vector<512x128xi1>
    %broadcast_in_dim3A_11 = vector.broadcast %jit3A : f32 to vector<512x128xf32>
    %select_n3A = arith.select %broadcast_in_dim3A_10, %get3A_6, %broadcast_in_dim3A_11 : vector<512x128xi1>, vector<512x128xf32>
    %reduce_max3A = arith.constant dense<0xFF800000> : vector<128xf32>
    %reduce_max3A_12 = vector.multi_reduction <maximumf>, %select_n3A, %reduce_max3A [0] : vector<512x128xf32> to vector<128xf32>
    %get3A_13 = arith.constant 0 : index
    %get3A_14 = arith.constant 0 : index
    %get3A_15 = vector.load %arg5[%get3A_13, %get3A_14] : memref<32x128xf32, #tpu.memory_space<vmem>>, vector<1x128xf32>
    %get3A_16 = vector.shape_cast %get3A_15 : vector<1x128xf32> to vector<128xf32>
    %max3A = arith.maximumf %get3A_16, %reduce_max3A_12 : vector<128xf32>
    %swap3A = arith.constant 0 : index
    %swap3A_17 = arith.constant 0 : index
    %swap3A_18 = vector.load %arg5[%swap3A, %swap3A_17] : memref<32x128xf32, #tpu.memory_space<vmem>>, vector<1x128xf32>
    %swap3A_19 = vector.shape_cast %swap3A_18 : vector<1x128xf32> to vector<128xf32>
    %swap3A_20 = vector.shape_cast %max3A : vector<128xf32> to vector<1x128xf32>
    tpu.vector_store %arg5[%swap3A, %swap3A_17], %swap3A_20 {strides = array<i32>} : memref<32x128xf32, #tpu.memory_space<vmem>>, vector<1x128xf32>,
    %eq3A_21 = arith.constant 1 : i32
    %eq3A_22 = vector.broadcast %eq3A_21 : i32 to vector<512x1xi32>
    %eq3A_23 = arith.cmpi eq, %get3A_3, %eq3A_22 : vector<512x1xi32>
    %jit3A_24 = arith.constant -1.000000e+00 : f32
    %broadcast_in_dim3A_25 = vector.shape_cast %eq3A_23 : vector<512x1xi1> to vector<512x1xi1>
    %broadcast_in_dim3A_26 = vector.broadcast %broadcast_in_dim3A_25 : vector<512x1xi1> to vector<512x128xi1>
    %broadcast_in_dim3A_27 = vector.broadcast %jit3A_24 : f32 to vector<512x128xf32>
    %select_n3A_28 = arith.select %broadcast_in_dim3A_26, %get3A_6, %broadcast_in_dim3A_27 : vector<512x128xi1>, vector<512x128xf32>
    %reduce_max3A_29 = arith.constant dense<0xFF800000> : vector<128xf32>
    %reduce_max3A_30 = vector.multi_reduction <maximumf>, %select_n3A_28, %reduce_max3A_29 [0] : vector<512x128xf32> to vector<128xf32>
    %get3A_31 = arith.constant 1 : index
    %get3A_32 = arith.constant 0 : index
    %get3A_33 = vector.load %arg5[%get3A_31, %get3A_32] : memref<32x128xf32, #tpu.memory_space<vmem>>, vector<1x128xf32>
    %get3A_34 = vector.shape_cast %get3A_33 : vector<1x128xf32> to vector<128xf32>
    %max3A_35 = arith.maximumf %get3A_34, %reduce_max3A_30 : vector<128xf32>
    %swap3A_36 = arith.constant 1 : index
    %swap3A_37 = arith.constant 0 : index
    %swap3A_38 = vector.load %arg5[%swap3A_36, %swap3A_37] : memref<32x128xf32, #tpu.memory_space<vmem>>, vector<1x128xf32>
    %swap3A_39 = vector.shape_cast %swap3A_38 : vector<1x128xf32> to vector<128xf32>
    %swap3A_40 = vector.shape_cast %max3A_35 : vector<128xf32> to vector<1x128xf32>
    tpu.vector_store %arg5[%swap3A_36, %swap3A_37], %swap3A_40 {strides = array<i32>} : memref<32x128xf32, #tpu.memory_space<vmem>>, vector<1x128xf32>,
    %eq3A_41 = arith.constant 2 : i32
    %eq3A_42 = vector.broadcast %eq3A_41 : i32 to vector<512x1xi32>
    %eq3A_43 = arith.cmpi eq, %get3A_3, %eq3A_42 : vector<512x1xi32>
    %jit3A_44 = arith.constant -1.000000e+00 : f32
    %broadcast_in_dim3A_45 = vector.shape_cast %eq3A_43 : vector<512x1xi1> to vector<512x1xi1>
    %broadcast_in_dim3A_46 = vector.broadcast %broadcast_in_dim3A_45 : vector<512x1xi1> to vector<512x128xi1>
    %broadcast_in_dim3A_47 = vector.broadcast %jit3A_44 : f32 to vector<512x128xf32>
    %select_n3A_48 = arith.select %broadcast_in_dim3A_46, %get3A_6, %broadcast_in_dim3A_47 : vector<512x128xi1>, vector<512x128xf32>
    %reduce_max3A_49 = arith.constant dense<0xFF800000> : vector<128xf32>
    %reduce_max3A_50 = vector.multi_reduction <maximumf>, %select_n3A_48, %reduce_max3A_49 [0] : vector<512x128xf32> to vector<128xf32>
    %get3A_51 = arith.constant 2 : index
    %get3A_52 = arith.constant 0 : index
    %get3A_53 = vector.load %arg5[%get3A_51, %get3A_52] : memref<32x128xf32, #tpu.memory_space<vmem>>, vector<1x128xf32>
    %get3A_54 = vector.shape_cast %get3A_53 : vector<1x128xf32> to vector<128xf32>
    %max3A_55 = arith.maximumf %get3A_54, %reduce_max3A_50 : vector<128xf32>
    %swap3A_56 = arith.constant 2 : index
    %swap3A_57 = arith.constant 0 : index
    %swap3A_58 = vector.load %arg5[%swap3A_56, %swap3A_57] : memref<32x128xf32, #tpu.memory_space<vmem>>, vector<1x128xf32>
    %swap3A_59 = vector.shape_cast %swap3A_58 : vector<1x128xf32> to vector<128xf32>
    %swap3A_60 = vector.shape_cast %max3A_55 : vector<128xf32> to vector<1x128xf32>
    tpu.vector_store %arg5[%swap3A_56, %swap3A_57], %swap3A_60 {strides = array<i32>} : memref<32x128xf32, #tpu.memory_space<vmem>>, vector<1x128xf32>,
    %eq3A_61 = arith.constant 3 : i32
    %eq3A_62 = vector.broadcast %eq3A_61 : i32 to vector<512x1xi32>
    %eq3A_63 = arith.cmpi eq, %get3A_3, %eq3A_62 : vector<512x1xi32>
    %jit3A_64 = arith.constant -1.000000e+00 : f32
    %broadcast_in_dim3A_65 = vector.shape_cast %eq3A_63 : vector<512x1xi1> to vector<512x1xi1>
    %broadcast_in_dim3A_66 = vector.broadcast %broadcast_in_dim3A_65 : vector<512x1xi1> to vector<512x128xi1>
    %broadcast_in_dim3A_67 = vector.broadcast %jit3A_64 : f32 to vector<512x128xf32>
    %select_n3A_68 = arith.select %broadcast_in_dim3A_66, %get3A_6, %broadcast_in_dim3A_67 : vector<512x128xi1>, vector<512x128xf32>
    %reduce_max3A_69 = arith.constant dense<0xFF800000> : vector<128xf32>
    %reduce_max3A_70 = vector.multi_reduction <maximumf>, %select_n3A_68, %reduce_max3A_69 [0] : vector<512x128xf32> to vector<128xf32>
    %get3A_71 = arith.constant 3 : index
    %get3A_72 = arith.constant 0 : index
    %get3A_73 = vector.load %arg5[%get3A_71, %get3A_72] : memref<32x128xf32, #tpu.memory_space<vmem>>, vector<1x128xf32>
    %get3A_74 = vector.shape_cast %get3A_73 : vector<1x128xf32> to vector<128xf32>
    %max3A_75 = arith.maximumf %get3A_74, %reduce_max3A_70 : vector<128xf32>
    %swap3A_76 = arith.constant 3 : index
    %swap3A_77 = arith.constant 0 : index
    %swap3A_78 = vector.load %arg5[%swap3A_76, %swap3A_77] : memref<32x128xf32, #tpu.memory_space<vmem>>, vector<1x128xf32>
    %swap3A_79 = vector.shape_cast %swap3A_78 : vector<1x128xf32> to vector<128xf32>
    %swap3A_80 = vector.shape_cast %max3A_75 : vector<128xf32> to vector<1x128xf32>
    tpu.vector_store %arg5[%swap3A_76, %swap3A_77], %swap3A_80 {strides = array<i32>} : memref<32x128xf32, #tpu.memory_space<vmem>>, vector<1x128xf32>,
    %eq3A_81 = arith.constant 4 : i32
    %eq3A_82 = vector.broadcast %eq3A_81 : i32 to vector<512x1xi32>
    %eq3A_83 = arith.cmpi eq, %get3A_3, %eq3A_82 : vector<512x1xi32>
    %jit3A_84 = arith.constant -1.000000e+00 : f32
    %broadcast_in_dim3A_85 = vector.shape_cast %eq3A_83 : vector<512x1xi1> to vector<512x1xi1>
    %broadcast_in_dim3A_86 = vector.broadcast %broadcast_in_dim3A_85 : vector<512x1xi1> to vector<512x128xi1>
    %broadcast_in_dim3A_87 = vector.broadcast %jit3A_84 : f32 to vector<512x128xf32>
    %select_n3A_88 = arith.select %broadcast_in_dim3A_86, %get3A_6, %broadcast_in_dim3A_87 : vector<512x128xi1>, vector<512x128xf32>
    %reduce_max3A_89 = arith.constant dense<0xFF800000> : vector<128xf32>
    %reduce_max3A_90 = vector.multi_reduction <maximumf>, %select_n3A_88, %reduce_max3A_89 [0] : vector<512x128xf32> to vector<128xf32>
    %get3A_91 = arith.constant 4 : index
    %get3A_92 = arith.constant 0 : index
    %get3A_93 = vector.load %arg5[%get3A_91, %get3A_92] : memref<32x128xf32, #tpu.memory_space<vmem>>, vector<1x128xf32>
    %get3A_94 = vector.shape_cast %get3A_93 : vector<1x128xf32> to vector<128xf32>
    %max3A_95 = arith.maximumf %get3A_94, %reduce_max3A_90 : vector<128xf32>
    %swap3A_96 = arith.constant 4 : index
    %swap3A_97 = arith.constant 0 : index
    %swap3A_98 = vector.load %arg5[%swap3A_96, %swap3A_97] : memref<32x128xf32, #tpu.memory_space<vmem>>, vector<1x128xf32>
    %swap3A_99 = vector.shape_cast %swap3A_98 : vector<1x128xf32> to vector<128xf32>
    %swap3A_100 = vector.shape_cast %max3A_95 : vector<128xf32> to vector<1x128xf32>
    tpu.vector_store %arg5[%swap3A_96, %swap3A_97], %swap3A_100 {strides = array<i32>} : memref<32x128xf32, #tpu.memory_space<vmem>>, vector<1x128xf32>,
    %eq3A_101 = arith.constant 5 : i32
    %eq3A_102 = vector.broadcast %eq3A_101 : i32 to vector<512x1xi32>
    %eq3A_103 = arith.cmpi eq, %get3A_3, %eq3A_102 : vector<512x1xi32>
    %jit3A_104 = arith.constant -1.000000e+00 : f32
    %broadcast_in_dim3A_105 = vector.shape_cast %eq3A_103 : vector<512x1xi1> to vector<512x1xi1>
    %broadcast_in_dim3A_106 = vector.broadcast %broadcast_in_dim3A_105 : vector<512x1xi1> to vector<512x128xi1>
    %broadcast_in_dim3A_107 = vector.broadcast %jit3A_104 : f32 to vector<512x128xf32>
    %select_n3A_108 = arith.select %broadcast_in_dim3A_106, %get3A_6, %broadcast_in_dim3A_107 : vector<512x128xi1>, vector<512x128xf32>
    %reduce_max3A_109 = arith.constant dense<0xFF800000> : vector<128xf32>
    %reduce_max3A_110 = vector.multi_reduction <maximumf>, %select_n3A_108, %reduce_max3A_109 [0] : vector<512x128xf32> to vector<128xf32>
    %get3A_111 = arith.constant 5 : index
    %get3A_112 = arith.constant 0 : index
    %get3A_113 = vector.load %arg5[%get3A_111, %get3A_112] : memref<32x128xf32, #tpu.memory_space<vmem>>, vector<1x128xf32>
    %get3A_114 = vector.shape_cast %get3A_113 : vector<1x128xf32> to vector<128xf32>
    %max3A_115 = arith.maximumf %get3A_114, %reduce_max3A_110 : vector<128xf32>
    %swap3A_116 = arith.constant 5 : index
    %swap3A_117 = arith.constant 0 : index
    %swap3A_118 = vector.load %arg5[%swap3A_116, %swap3A_117] : memref<32x128xf32, #tpu.memory_space<vmem>>, vector<1x128xf32>
    %swap3A_119 = vector.shape_cast %swap3A_118 : vector<1x128xf32> to vector<128xf32>
    %swap3A_120 = vector.shape_cast %max3A_115 : vector<128xf32> to vector<1x128xf32>
    tpu.vector_store %arg5[%swap3A_116, %swap3A_117], %swap3A_120 {strides = array<i32>} : memref<32x128xf32, #tpu.memory_space<vmem>>, vector<1x128xf32>,
    %eq3A_121 = arith.constant 6 : i32
    %eq3A_122 = vector.broadcast %eq3A_121 : i32 to vector<512x1xi32>
    %eq3A_123 = arith.cmpi eq, %get3A_3, %eq3A_122 : vector<512x1xi32>
    %jit3A_124 = arith.constant -1.000000e+00 : f32
    %broadcast_in_dim3A_125 = vector.shape_cast %eq3A_123 : vector<512x1xi1> to vector<512x1xi1>
    %broadcast_in_dim3A_126 = vector.broadcast %broadcast_in_dim3A_125 : vector<512x1xi1> to vector<512x128xi1>
    %broadcast_in_dim3A_127 = vector.broadcast %jit3A_124 : f32 to vector<512x128xf32>
    %select_n3A_128 = arith.select %broadcast_in_dim3A_126, %get3A_6, %broadcast_in_dim3A_127 : vector<512x128xi1>, vector<512x128xf32>
    %reduce_max3A_129 = arith.constant dense<0xFF800000> : vector<128xf32>
    %reduce_max3A_130 = vector.multi_reduction <maximumf>, %select_n3A_128, %reduce_max3A_129 [0] : vector<512x128xf32> to vector<128xf32>
    %get3A_131 = arith.constant 6 : index
    %get3A_132 = arith.constant 0 : index
    %get3A_133 = vector.load %arg5[%get3A_131, %get3A_132] : memref<32x128xf32, #tpu.memory_space<vmem>>, vector<1x128xf32>
    %get3A_134 = vector.shape_cast %get3A_133 : vector<1x128xf32> to vector<128xf32>
    %max3A_135 = arith.maximumf %get3A_134, %reduce_max3A_130 : vector<128xf32>
    %swap3A_136 = arith.constant 6 : index
    %swap3A_137 = arith.constant 0 : index
    %swap3A_138 = vector.load %arg5[%swap3A_136, %swap3A_137] : memref<32x128xf32, #tpu.memory_space<vmem>>, vector<1x128xf32>
    %swap3A_139 = vector.shape_cast %swap3A_138 : vector<1x128xf32> to vector<128xf32>
    %swap3A_140 = vector.shape_cast %max3A_135 : vector<128xf32> to vector<1x128xf32>
    tpu.vector_store %arg5[%swap3A_136, %swap3A_137], %swap3A_140 {strides = array<i32>} : memref<32x128xf32, #tpu.memory_space<vmem>>, vector<1x128xf32>,
    %eq3A_141 = arith.constant 7 : i32
    %eq3A_142 = vector.broadcast %eq3A_141 : i32 to vector<512x1xi32>
    %eq3A_143 = arith.cmpi eq, %get3A_3, %eq3A_142 : vector<512x1xi32>
    %jit3A_144 = arith.constant -1.000000e+00 : f32
    %broadcast_in_dim3A_145 = vector.shape_cast %eq3A_143 : vector<512x1xi1> to vector<512x1xi1>
    %broadcast_in_dim3A_146 = vector.broadcast %broadcast_in_dim3A_145 : vector<512x1xi1> to vector<512x128xi1>
    %broadcast_in_dim3A_147 = vector.broadcast %jit3A_144 : f32 to vector<512x128xf32>
    %select_n3A_148 = arith.select %broadcast_in_dim3A_146, %get3A_6, %broadcast_in_dim3A_147 : vector<512x128xi1>, vector<512x128xf32>
    %reduce_max3A_149 = arith.constant dense<0xFF800000> : vector<128xf32>
    %reduce_max3A_150 = vector.multi_reduction <maximumf>, %select_n3A_148, %reduce_max3A_149 [0] : vector<512x128xf32> to vector<128xf32>
    %get3A_151 = arith.constant 7 : index
    %get3A_152 = arith.constant 0 : index
    %get3A_153 = vector.load %arg5[%get3A_151, %get3A_152] : memref<32x128xf32, #tpu.memory_space<vmem>>, vector<1x128xf32>
    %get3A_154 = vector.shape_cast %get3A_153 : vector<1x128xf32> to vector<128xf32>
    %max3A_155 = arith.maximumf %get3A_154, %reduce_max3A_150 : vector<128xf32>
    %swap3A_156 = arith.constant 7 : index
    %swap3A_157 = arith.constant 0 : index
    %swap3A_158 = vector.load %arg5[%swap3A_156, %swap3A_157] : memref<32x128xf32, #tpu.memory_space<vmem>>, vector<1x128xf32>
    %swap3A_159 = vector.shape_cast %swap3A_158 : vector<1x128xf32> to vector<128xf32>
    %swap3A_160 = vector.shape_cast %max3A_155 : vector<128xf32> to vector<1x128xf32>
    tpu.vector_store %arg5[%swap3A_156, %swap3A_157], %swap3A_160 {strides = array<i32>} : memref<32x128xf32, #tpu.memory_space<vmem>>, vector<1x128xf32>,
    %eq3A_161 = arith.constant 8 : i32
    %eq3A_162 = vector.broadcast %eq3A_161 : i32 to vector<512x1xi32>
    %eq3A_163 = arith.cmpi eq, %get3A_3, %eq3A_162 : vector<512x1xi32>
    %jit3A_164 = arith.constant -1.000000e+00 : f32
    %broadcast_in_dim3A_165 = vector.shape_cast %eq3A_163 : vector<512x1xi1> to vector<512x1xi1>
    %broadcast_in_dim3A_166 = vector.broadcast %broadcast_in_dim3A_165 : vector<512x1xi1> to vector<512x128xi1>
    %broadcast_in_dim3A_167 = vector.broadcast %jit3A_164 : f32 to vector<512x128xf32>
    %select_n3A_168 = arith.select %broadcast_in_dim3A_166, %get3A_6, %broadcast_in_dim3A_167 : vector<512x128xi1>, vector<512x128xf32>
    %reduce_max3A_169 = arith.constant dense<0xFF800000> : vector<128xf32>
    %reduce_max3A_170 = vector.multi_reduction <maximumf>, %select_n3A_168, %reduce_max3A_169 [0] : vector<512x128xf32> to vector<128xf32>
    %get3A_171 = arith.constant 8 : index
    %get3A_172 = arith.constant 0 : index
    %get3A_173 = vector.load %arg5[%get3A_171, %get3A_172] : memref<32x128xf32, #tpu.memory_space<vmem>>, vector<1x128xf32>
    %get3A_174 = vector.shape_cast %get3A_173 : vector<1x128xf32> to vector<128xf32>
    %max3A_175 = arith.maximumf %get3A_174, %reduce_max3A_170 : vector<128xf32>
    %swap3A_176 = arith.constant 8 : index
    %swap3A_177 = arith.constant 0 : index
    %swap3A_178 = vector.load %arg5[%swap3A_176, %swap3A_177] : memref<32x128xf32, #tpu.memory_space<vmem>>, vector<1x128xf32>
    %swap3A_179 = vector.shape_cast %swap3A_178 : vector<1x128xf32> to vector<128xf32>
    %swap3A_180 = vector.shape_cast %max3A_175 : vector<128xf32> to vector<1x128xf32>
    tpu.vector_store %arg5[%swap3A_176, %swap3A_177], %swap3A_180 {strides = array<i32>} : memref<32x128xf32, #tpu.memory_space<vmem>>, vector<1x128xf32>,
    %eq3A_181 = arith.constant 9 : i32
    %eq3A_182 = vector.broadcast %eq3A_181 : i32 to vector<512x1xi32>
    %eq3A_183 = arith.cmpi eq, %get3A_3, %eq3A_182 : vector<512x1xi32>
    %jit3A_184 = arith.constant -1.000000e+00 : f32
    %broadcast_in_dim3A_185 = vector.shape_cast %eq3A_183 : vector<512x1xi1> to vector<512x1xi1>
    %broadcast_in_dim3A_186 = vector.broadcast %broadcast_in_dim3A_185 : vector<512x1xi1> to vector<512x128xi1>
    %broadcast_in_dim3A_187 = vector.broadcast %jit3A_184 : f32 to vector<512x128xf32>
    %select_n3A_188 = arith.select %broadcast_in_dim3A_186, %get3A_6, %broadcast_in_dim3A_187 : vector<512x128xi1>, vector<512x128xf32>
    %reduce_max3A_189 = arith.constant dense<0xFF800000> : vector<128xf32>
    %reduce_max3A_190 = vector.multi_reduction <maximumf>, %select_n3A_188, %reduce_max3A_189 [0] : vector<512x128xf32> to vector<128xf32>
    %get3A_191 = arith.constant 9 : index
    %get3A_192 = arith.constant 0 : index
    %get3A_193 = vector.load %arg5[%get3A_191, %get3A_192] : memref<32x128xf32, #tpu.memory_space<vmem>>, vector<1x128xf32>
    %get3A_194 = vector.shape_cast %get3A_193 : vector<1x128xf32> to vector<128xf32>
    %max3A_195 = arith.maximumf %get3A_194, %reduce_max3A_190 : vector<128xf32>
    %swap3A_196 = arith.constant 9 : index
    %swap3A_197 = arith.constant 0 : index
    %swap3A_198 = vector.load %arg5[%swap3A_196, %swap3A_197] : memref<32x128xf32, #tpu.memory_space<vmem>>, vector<1x128xf32>
    %swap3A_199 = vector.shape_cast %swap3A_198 : vector<1x128xf32> to vector<128xf32>
    %swap3A_200 = vector.shape_cast %max3A_195 : vector<128xf32> to vector<1x128xf32>
    tpu.vector_store %arg5[%swap3A_196, %swap3A_197], %swap3A_200 {strides = array<i32>} : memref<32x128xf32, #tpu.memory_space<vmem>>, vector<1x128xf32>,
    %eq3A_201 = arith.constant 10 : i32
    %eq3A_202 = vector.broadcast %eq3A_201 : i32 to vector<512x1xi32>
    %eq3A_203 = arith.cmpi eq, %get3A_3, %eq3A_202 : vector<512x1xi32>
    %jit3A_204 = arith.constant -1.000000e+00 : f32
    %broadcast_in_dim3A_205 = vector.shape_cast %eq3A_203 : vector<512x1xi1> to vector<512x1xi1>
    %broadcast_in_dim3A_206 = vector.broadcast %broadcast_in_dim3A_205 : vector<512x1xi1> to vector<512x128xi1>
    %broadcast_in_dim3A_207 = vector.broadcast %jit3A_204 : f32 to vector<512x128xf32>
    %select_n3A_208 = arith.select %broadcast_in_dim3A_206, %get3A_6, %broadcast_in_dim3A_207 : vector<512x128xi1>, vector<512x128xf32>
    %reduce_max3A_209 = arith.constant dense<0xFF800000> : vector<128xf32>
    %reduce_max3A_210 = vector.multi_reduction <maximumf>, %select_n3A_208, %reduce_max3A_209 [0] : vector<512x128xf32> to vector<128xf32>
    %get3A_211 = arith.constant 10 : index
    %get3A_212 = arith.constant 0 : index
    %get3A_213 = vector.load %arg5[%get3A_211, %get3A_212] : memref<32x128xf32, #tpu.memory_space<vmem>>, vector<1x128xf32>
    %get3A_214 = vector.shape_cast %get3A_213 : vector<1x128xf32> to vector<128xf32>
    %max3A_215 = arith.maximumf %get3A_214, %reduce_max3A_210 : vector<128xf32>
    %swap3A_216 = arith.constant 10 : index
    %swap3A_217 = arith.constant 0 : index
    %swap3A_218 = vector.load %arg5[%swap3A_216, %swap3A_217] : memref<32x128xf32, #tpu.memory_space<vmem>>, vector<1x128xf32>
    %swap3A_219 = vector.shape_cast %swap3A_218 : vector<1x128xf32> to vector<128xf32>
    %swap3A_220 = vector.shape_cast %max3A_215 : vector<128xf32> to vector<1x128xf32>
    tpu.vector_store %arg5[%swap3A_216, %swap3A_217], %swap3A_220 {strides = array<i32>} : memref<32x128xf32, #tpu.memory_space<vmem>>, vector<1x128xf32>,
    %eq3A_221 = arith.constant 11 : i32
    %eq3A_222 = vector.broadcast %eq3A_221 : i32 to vector<512x1xi32>
    %eq3A_223 = arith.cmpi eq, %get3A_3, %eq3A_222 : vector<512x1xi32>
    %jit3A_224 = arith.constant -1.000000e+00 : f32
    %broadcast_in_dim3A_225 = vector.shape_cast %eq3A_223 : vector<512x1xi1> to vector<512x1xi1>
    %broadcast_in_dim3A_226 = vector.broadcast %broadcast_in_dim3A_225 : vector<512x1xi1> to vector<512x128xi1>
    %broadcast_in_dim3A_227 = vector.broadcast %jit3A_224 : f32 to vector<512x128xf32>
    %select_n3A_228 = arith.select %broadcast_in_dim3A_226, %get3A_6, %broadcast_in_dim3A_227 : vector<512x128xi1>, vector<512x128xf32>
    %reduce_max3A_229 = arith.constant dense<0xFF800000> : vector<128xf32>
    %reduce_max3A_230 = vector.multi_reduction <maximumf>, %select_n3A_228, %reduce_max3A_229 [0] : vector<512x128xf32> to vector<128xf32>
    %get3A_231 = arith.constant 11 : index
    %get3A_232 = arith.constant 0 : index
    %get3A_233 = vector.load %arg5[%get3A_231, %get3A_232] : memref<32x128xf32, #tpu.memory_space<vmem>>, vector<1x128xf32>
    %get3A_234 = vector.shape_cast %get3A_233 : vector<1x128xf32> to vector<128xf32>
    %max3A_235 = arith.maximumf %get3A_234, %reduce_max3A_230 : vector<128xf32>
    %swap3A_236 = arith.constant 11 : index
    %swap3A_237 = arith.constant 0 : index
    %swap3A_238 = vector.load %arg5[%swap3A_236, %swap3A_237] : memref<32x128xf32, #tpu.memory_space<vmem>>, vector<1x128xf32>
    %swap3A_239 = vector.shape_cast %swap3A_238 : vector<1x128xf32> to vector<128xf32>
    %swap3A_240 = vector.shape_cast %max3A_235 : vector<128xf32> to vector<1x128xf32>
    tpu.vector_store %arg5[%swap3A_236, %swap3A_237], %swap3A_240 {strides = array<i32>} : memref<32x128xf32, #tpu.memory_space<vmem>>, vector<1x128xf32>,
    %eq3A_241 = arith.constant 12 : i32
    %eq3A_242 = vector.broadcast %eq3A_241 : i32 to vector<512x1xi32>
    %eq3A_243 = arith.cmpi eq, %get3A_3, %eq3A_242 : vector<512x1xi32>
    %jit3A_244 = arith.constant -1.000000e+00 : f32
    %broadcast_in_dim3A_245 = vector.shape_cast %eq3A_243 : vector<512x1xi1> to vector<512x1xi1>
    %broadcast_in_dim3A_246 = vector.broadcast %broadcast_in_dim3A_245 : vector<512x1xi1> to vector<512x128xi1>
    %broadcast_in_dim3A_247 = vector.broadcast %jit3A_244 : f32 to vector<512x128xf32>
    %select_n3A_248 = arith.select %broadcast_in_dim3A_246, %get3A_6, %broadcast_in_dim3A_247 : vector<512x128xi1>, vector<512x128xf32>
    %reduce_max3A_249 = arith.constant dense<0xFF800000> : vector<128xf32>
    %reduce_max3A_250 = vector.multi_reduction <maximumf>, %select_n3A_248, %reduce_max3A_249 [0] : vector<512x128xf32> to vector<128xf32>
    %get3A_251 = arith.constant 12 : index
    %get3A_252 = arith.constant 0 : index
    %get3A_253 = vector.load %arg5[%get3A_251, %get3A_252] : memref<32x128xf32, #tpu.memory_space<vmem>>, vector<1x128xf32>
    %get3A_254 = vector.shape_cast %get3A_253 : vector<1x128xf32> to vector<128xf32>
    %max3A_255 = arith.maximumf %get3A_254, %reduce_max3A_250 : vector<128xf32>
    %swap3A_256 = arith.constant 12 : index
    %swap3A_257 = arith.constant 0 : index
    %swap3A_258 = vector.load %arg5[%swap3A_256, %swap3A_257] : memref<32x128xf32, #tpu.memory_space<vmem>>, vector<1x128xf32>
    %swap3A_259 = vector.shape_cast %swap3A_258 : vector<1x128xf32> to vector<128xf32>
    %swap3A_260 = vector.shape_cast %max3A_255 : vector<128xf32> to vector<1x128xf32>
    tpu.vector_store %arg5[%swap3A_256, %swap3A_257], %swap3A_260 {strides = array<i32>} : memref<32x128xf32, #tpu.memory_space<vmem>>, vector<1x128xf32>,
    %eq3A_261 = arith.constant 13 : i32
    %eq3A_262 = vector.broadcast %eq3A_261 : i32 to vector<512x1xi32>
    %eq3A_263 = arith.cmpi eq, %get3A_3, %eq3A_262 : vector<512x1xi32>
    %jit3A_264 = arith.constant -1.000000e+00 : f32
    %broadcast_in_dim3A_265 = vector.shape_cast %eq3A_263 : vector<512x1xi1> to vector<512x1xi1>
    %broadcast_in_dim3A_266 = vector.broadcast %broadcast_in_dim3A_265 : vector<512x1xi1> to vector<512x128xi1>
    %broadcast_in_dim3A_267 = vector.broadcast %jit3A_264 : f32 to vector<512x128xf32>
    %select_n3A_268 = arith.select %broadcast_in_dim3A_266, %get3A_6, %broadcast_in_dim3A_267 : vector<512x128xi1>, vector<512x128xf32>
    %reduce_max3A_269 = arith.constant dense<0xFF800000> : vector<128xf32>
    %reduce_max3A_270 = vector.multi_reduction <maximumf>, %select_n3A_268, %reduce_max3A_269 [0] : vector<512x128xf32> to vector<128xf32>
    %get3A_271 = arith.constant 13 : index
    %get3A_272 = arith.constant 0 : index
    %get3A_273 = vector.load %arg5[%get3A_271, %get3A_272] : memref<32x128xf32, #tpu.memory_space<vmem>>, vector<1x128xf32>
    %get3A_274 = vector.shape_cast %get3A_273 : vector<1x128xf32> to vector<128xf32>
    %max3A_275 = arith.maximumf %get3A_274, %reduce_max3A_270 : vector<128xf32>
    %swap3A_276 = arith.constant 13 : index
    %swap3A_277 = arith.constant 0 : index
    %swap3A_278 = vector.load %arg5[%swap3A_276, %swap3A_277] : memref<32x128xf32, #tpu.memory_space<vmem>>, vector<1x128xf32>
    %swap3A_279 = vector.shape_cast %swap3A_278 : vector<1x128xf32> to vector<128xf32>
    %swap3A_280 = vector.shape_cast %max3A_275 : vector<128xf32> to vector<1x128xf32>
    tpu.vector_store %arg5[%swap3A_276, %swap3A_277], %swap3A_280 {strides = array<i32>} : memref<32x128xf32, #tpu.memory_space<vmem>>, vector<1x128xf32>,
    %eq3A_281 = arith.constant 14 : i32
    %eq3A_282 = vector.broadcast %eq3A_281 : i32 to vector<512x1xi32>
    %eq3A_283 = arith.cmpi eq, %get3A_3, %eq3A_282 : vector<512x1xi32>
    %jit3A_284 = arith.constant -1.000000e+00 : f32
    %broadcast_in_dim3A_285 = vector.shape_cast %eq3A_283 : vector<512x1xi1> to vector<512x1xi1>
    %broadcast_in_dim3A_286 = vector.broadcast %broadcast_in_dim3A_285 : vector<512x1xi1> to vector<512x128xi1>
    %broadcast_in_dim3A_287 = vector.broadcast %jit3A_284 : f32 to vector<512x128xf32>
    %select_n3A_288 = arith.select %broadcast_in_dim3A_286, %get3A_6, %broadcast_in_dim3A_287 : vector<512x128xi1>, vector<512x128xf32>
    %reduce_max3A_289 = arith.constant dense<0xFF800000> : vector<128xf32>
    %reduce_max3A_290 = vector.multi_reduction <maximumf>, %select_n3A_288, %reduce_max3A_289 [0] : vector<512x128xf32> to vector<128xf32>
    %get3A_291 = arith.constant 14 : index
    %get3A_292 = arith.constant 0 : index
    %get3A_293 = vector.load %arg5[%get3A_291, %get3A_292] : memref<32x128xf32, #tpu.memory_space<vmem>>, vector<1x128xf32>
    %get3A_294 = vector.shape_cast %get3A_293 : vector<1x128xf32> to vector<128xf32>
    %max3A_295 = arith.maximumf %get3A_294, %reduce_max3A_290 : vector<128xf32>
    %swap3A_296 = arith.constant 14 : index
    %swap3A_297 = arith.constant 0 : index
    %swap3A_298 = vector.load %arg5[%swap3A_296, %swap3A_297] : memref<32x128xf32, #tpu.memory_space<vmem>>, vector<1x128xf32>
    %swap3A_299 = vector.shape_cast %swap3A_298 : vector<1x128xf32> to vector<128xf32>
    %swap3A_300 = vector.shape_cast %max3A_295 : vector<128xf32> to vector<1x128xf32>
    tpu.vector_store %arg5[%swap3A_296, %swap3A_297], %swap3A_300 {strides = array<i32>} : memref<32x128xf32, #tpu.memory_space<vmem>>, vector<1x128xf32>,
    %eq3A_301 = arith.constant 15 : i32
    %eq3A_302 = vector.broadcast %eq3A_301 : i32 to vector<512x1xi32>
    %eq3A_303 = arith.cmpi eq, %get3A_3, %eq3A_302 : vector<512x1xi32>
    %jit3A_304 = arith.constant -1.000000e+00 : f32
    %broadcast_in_dim3A_305 = vector.shape_cast %eq3A_303 : vector<512x1xi1> to vector<512x1xi1>
    %broadcast_in_dim3A_306 = vector.broadcast %broadcast_in_dim3A_305 : vector<512x1xi1> to vector<512x128xi1>
    %broadcast_in_dim3A_307 = vector.broadcast %jit3A_304 : f32 to vector<512x128xf32>
    %select_n3A_308 = arith.select %broadcast_in_dim3A_306, %get3A_6, %broadcast_in_dim3A_307 : vector<512x128xi1>, vector<512x128xf32>
    %reduce_max3A_309 = arith.constant dense<0xFF800000> : vector<128xf32>
    %reduce_max3A_310 = vector.multi_reduction <maximumf>, %select_n3A_308, %reduce_max3A_309 [0] : vector<512x128xf32> to vector<128xf32>
    %get3A_311 = arith.constant 15 : index
    %get3A_312 = arith.constant 0 : index
    %get3A_313 = vector.load %arg5[%get3A_311, %get3A_312] : memref<32x128xf32, #tpu.memory_space<vmem>>, vector<1x128xf32>
    %get3A_314 = vector.shape_cast %get3A_313 : vector<1x128xf32> to vector<128xf32>
    %max3A_315 = arith.maximumf %get3A_314, %reduce_max3A_310 : vector<128xf32>
    %swap3A_316 = arith.constant 15 : index
    %swap3A_317 = arith.constant 0 : index
    %swap3A_318 = vector.load %arg5[%swap3A_316, %swap3A_317] : memref<32x128xf32, #tpu.memory_space<vmem>>, vector<1x128xf32>
    %swap3A_319 = vector.shape_cast %swap3A_318 : vector<1x128xf32> to vector<128xf32>
    %swap3A_320 = vector.shape_cast %max3A_315 : vector<128xf32> to vector<1x128xf32>
    tpu.vector_store %arg5[%swap3A_316, %swap3A_317], %swap3A_320 {strides = array<i32>} : memref<32x128xf32, #tpu.memory_space<vmem>>, vector<1x128xf32>,
    %eq3A_321 = arith.constant 16 : i32
    %eq3A_322 = vector.broadcast %eq3A_321 : i32 to vector<512x1xi32>
    %eq3A_323 = arith.cmpi eq, %get3A_3, %eq3A_322 : vector<512x1xi32>
    %jit3A_324 = arith.constant -1.000000e+00 : f32
    %broadcast_in_dim3A_325 = vector.shape_cast %eq3A_323 : vector<512x1xi1> to vector<512x1xi1>
    %broadcast_in_dim3A_326 = vector.broadcast %broadcast_in_dim3A_325 : vector<512x1xi1> to vector<512x128xi1>
    %broadcast_in_dim3A_327 = vector.broadcast %jit3A_324 : f32 to vector<512x128xf32>
    %select_n3A_328 = arith.select %broadcast_in_dim3A_326, %get3A_6, %broadcast_in_dim3A_327 : vector<512x128xi1>, vector<512x128xf32>
    %reduce_max3A_329 = arith.constant dense<0xFF800000> : vector<128xf32>
    %reduce_max3A_330 = vector.multi_reduction <maximumf>, %select_n3A_328, %reduce_max3A_329 [0] : vector<512x128xf32> to vector<128xf32>
    %get3A_331 = arith.constant 16 : index
    %get3A_332 = arith.constant 0 : index
    %get3A_333 = vector.load %arg5[%get3A_331, %get3A_332] : memref<32x128xf32, #tpu.memory_space<vmem>>, vector<1x128xf32>
    %get3A_334 = vector.shape_cast %get3A_333 : vector<1x128xf32> to vector<128xf32>
    %max3A_335 = arith.maximumf %get3A_334, %reduce_max3A_330 : vector<128xf32>
    %swap3A_336 = arith.constant 16 : index
    %swap3A_337 = arith.constant 0 : index
    %swap3A_338 = vector.load %arg5[%swap3A_336, %swap3A_337] : memref<32x128xf32, #tpu.memory_space<vmem>>, vector<1x128xf32>
    %swap3A_339 = vector.shape_cast %swap3A_338 : vector<1x128xf32> to vector<128xf32>
    %swap3A_340 = vector.shape_cast %max3A_335 : vector<128xf32> to vector<1x128xf32>
    tpu.vector_store %arg5[%swap3A_336, %swap3A_337], %swap3A_340 {strides = array<i32>} : memref<32x128xf32, #tpu.memory_space<vmem>>, vector<1x128xf32>,
    %eq3A_341 = arith.constant 17 : i32
    %eq3A_342 = vector.broadcast %eq3A_341 : i32 to vector<512x1xi32>
    %eq3A_343 = arith.cmpi eq, %get3A_3, %eq3A_342 : vector<512x1xi32>
    %jit3A_344 = arith.constant -1.000000e+00 : f32
    %broadcast_in_dim3A_345 = vector.shape_cast %eq3A_343 : vector<512x1xi1> to vector<512x1xi1>
    %broadcast_in_dim3A_346 = vector.broadcast %broadcast_in_dim3A_345 : vector<512x1xi1> to vector<512x128xi1>
    %broadcast_in_dim3A_347 = vector.broadcast %jit3A_344 : f32 to vector<512x128xf32>
    %select_n3A_348 = arith.select %broadcast_in_dim3A_346, %get3A_6, %broadcast_in_dim3A_347 : vector<512x128xi1>, vector<512x128xf32>
    %reduce_max3A_349 = arith.constant dense<0xFF800000> : vector<128xf32>
    %reduce_max3A_350 = vector.multi_reduction <maximumf>, %select_n3A_348, %reduce_max3A_349 [0] : vector<512x128xf32> to vector<128xf32>
    %get3A_351 = arith.constant 17 : index
    %get3A_352 = arith.constant 0 : index
    %get3A_353 = vector.load %arg5[%get3A_351, %get3A_352] : memref<32x128xf32, #tpu.memory_space<vmem>>, vector<1x128xf32>
    %get3A_354 = vector.shape_cast %get3A_353 : vector<1x128xf32> to vector<128xf32>
    %max3A_355 = arith.maximumf %get3A_354, %reduce_max3A_350 : vector<128xf32>
    %swap3A_356 = arith.constant 17 : index
    %swap3A_357 = arith.constant 0 : index
    %swap3A_358 = vector.load %arg5[%swap3A_356, %swap3A_357] : memref<32x128xf32, #tpu.memory_space<vmem>>, vector<1x128xf32>
    %swap3A_359 = vector.shape_cast %swap3A_358 : vector<1x128xf32> to vector<128xf32>
    %swap3A_360 = vector.shape_cast %max3A_355 : vector<128xf32> to vector<1x128xf32>
    tpu.vector_store %arg5[%swap3A_356, %swap3A_357], %swap3A_360 {strides = array<i32>} : memref<32x128xf32, #tpu.memory_space<vmem>>, vector<1x128xf32>,
    %eq3A_361 = arith.constant 18 : i32
    %eq3A_362 = vector.broadcast %eq3A_361 : i32 to vector<512x1xi32>
    %eq3A_363 = arith.cmpi eq, %get3A_3, %eq3A_362 : vector<512x1xi32>
    %jit3A_364 = arith.constant -1.000000e+00 : f32
    %broadcast_in_dim3A_365 = vector.shape_cast %eq3A_363 : vector<512x1xi1> to vector<512x1xi1>
    %broadcast_in_dim3A_366 = vector.broadcast %broadcast_in_dim3A_365 : vector<512x1xi1> to vector<512x128xi1>
    %broadcast_in_dim3A_367 = vector.broadcast %jit3A_364 : f32 to vector<512x128xf32>
    %select_n3A_368 = arith.select %broadcast_in_dim3A_366, %get3A_6, %broadcast_in_dim3A_367 : vector<512x128xi1>, vector<512x128xf32>
    %reduce_max3A_369 = arith.constant dense<0xFF800000> : vector<128xf32>
    %reduce_max3A_370 = vector.multi_reduction <maximumf>, %select_n3A_368, %reduce_max3A_369 [0] : vector<512x128xf32> to vector<128xf32>
    %get3A_371 = arith.constant 18 : index
    %get3A_372 = arith.constant 0 : index
    %get3A_373 = vector.load %arg5[%get3A_371, %get3A_372] : memref<32x128xf32, #tpu.memory_space<vmem>>, vector<1x128xf32>
    %get3A_374 = vector.shape_cast %get3A_373 : vector<1x128xf32> to vector<128xf32>
    %max3A_375 = arith.maximumf %get3A_374, %reduce_max3A_370 : vector<128xf32>
    %swap3A_376 = arith.constant 18 : index
    %swap3A_377 = arith.constant 0 : index
    %swap3A_378 = vector.load %arg5[%swap3A_376, %swap3A_377] : memref<32x128xf32, #tpu.memory_space<vmem>>, vector<1x128xf32>
    %swap3A_379 = vector.shape_cast %swap3A_378 : vector<1x128xf32> to vector<128xf32>
    %swap3A_380 = vector.shape_cast %max3A_375 : vector<128xf32> to vector<1x128xf32>
    tpu.vector_store %arg5[%swap3A_376, %swap3A_377], %swap3A_380 {strides = array<i32>} : memref<32x128xf32, #tpu.memory_space<vmem>>, vector<1x128xf32>,
    %eq3A_381 = arith.constant 19 : i32
    %eq3A_382 = vector.broadcast %eq3A_381 : i32 to vector<512x1xi32>
    %eq3A_383 = arith.cmpi eq, %get3A_3, %eq3A_382 : vector<512x1xi32>
    %jit3A_384 = arith.constant -1.000000e+00 : f32
    %broadcast_in_dim3A_385 = vector.shape_cast %eq3A_383 : vector<512x1xi1> to vector<512x1xi1>
    %broadcast_in_dim3A_386 = vector.broadcast %broadcast_in_dim3A_385 : vector<512x1xi1> to vector<512x128xi1>
    %broadcast_in_dim3A_387 = vector.broadcast %jit3A_384 : f32 to vector<512x128xf32>
    %select_n3A_388 = arith.select %broadcast_in_dim3A_386, %get3A_6, %broadcast_in_dim3A_387 : vector<512x128xi1>, vector<512x128xf32>
    %reduce_max3A_389 = arith.constant dense<0xFF800000> : vector<128xf32>
    %reduce_max3A_390 = vector.multi_reduction <maximumf>, %select_n3A_388, %reduce_max3A_389 [0] : vector<512x128xf32> to vector<128xf32>
    %get3A_391 = arith.constant 19 : index
    %get3A_392 = arith.constant 0 : index
    %get3A_393 = vector.load %arg5[%get3A_391, %get3A_392] : memref<32x128xf32, #tpu.memory_space<vmem>>, vector<1x128xf32>
    %get3A_394 = vector.shape_cast %get3A_393 : vector<1x128xf32> to vector<128xf32>
    %max3A_395 = arith.maximumf %get3A_394, %reduce_max3A_390 : vector<128xf32>
    %swap3A_396 = arith.constant 19 : index
    %swap3A_397 = arith.constant 0 : index
    %swap3A_398 = vector.load %arg5[%swap3A_396, %swap3A_397] : memref<32x128xf32, #tpu.memory_space<vmem>>, vector<1x128xf32>
    %swap3A_399 = vector.shape_cast %swap3A_398 : vector<1x128xf32> to vector<128xf32>
    %swap3A_400 = vector.shape_cast %max3A_395 : vector<128xf32> to vector<1x128xf32>
    tpu.vector_store %arg5[%swap3A_396, %swap3A_397], %swap3A_400 {strides = array<i32>} : memref<32x128xf32, #tpu.memory_space<vmem>>, vector<1x128xf32>,
    %eq3A_401 = arith.constant 19 : i32
    %eq3A_402 = arith.cmpi eq, %arg0, %eq3A_401 : i32
    %convert_element_type3A_403 = arith.extui %eq3A_402 : i1 to i32
    %cond3A_404 = arith.constant 0 : i32
    %cond3A_405 = arith.cmpi ne, %convert_element_type3A_403, %cond3A_404 : i32
    scf.if %cond3A_405 {
      %get3A_406 = arith.constant 0 : index
      %get3A_407 = arith.constant 0 : index
      %get3A_408 = vector.load %arg5[%get3A_406, %get3A_407] : memref<32x128xf32, #tpu.memory_space<vmem>>, vector<32x128xf32>
      %lt3A = arith.constant 0.000000e+00 : f32
      %lt3A_409 = vector.broadcast %lt3A : f32 to vector<32x128xf32>
      %lt3A_410 = arith.cmpf olt, %get3A_408, %lt3A_409 : vector<32x128xf32>
      %jit3A_411 = arith.constant 0.000000e+00 : f32
      %broadcast_in_dim3A_412 = vector.broadcast %jit3A_411 : f32 to vector<32x128xf32>
      %select_n3A_413 = arith.select %lt3A_410, %broadcast_in_dim3A_412, %get3A_408 : vector<32x128xi1>, vector<32x128xf32>
      %get3A_414 = arith.constant 0 : index
      %get3A_415 = arith.constant 0 : index
      %get3A_416 = vector.load %arg3[%get3A_414, %get3A_415] : memref<160x1xi32, #tpu.memory_space<vmem>>, vector<160x1xi32>
      %iota3A = tpu.iota {dimensions = array<i32: 0>} : vector<160x1xi32>
      %jit3A_417 = arith.constant 10 : i32
      %eq3A_418 = arith.constant 0 : i32
      %eq3A_419 = arith.cmpi eq, %jit3A_417, %eq3A_418 : i32
      %jit3A_420 = arith.constant 1 : i32
      %select_n3A_421 = arith.select %eq3A_419, %jit3A_420, %jit3A_417 : i32
      %rem3A = vector.broadcast %select_n3A_421 : i32 to vector<160x1xi32>
      %rem3A_422 = arith.remsi %iota3A, %rem3A : vector<160x1xi32>
      %ne3A = arith.constant 0 : i32
      %ne3A_423 = vector.broadcast %ne3A : i32 to vector<160x1xi32>
      %ne3A_424 = arith.cmpi ne, %rem3A_422, %ne3A_423 : vector<160x1xi32>
      %lt3A_425 = arith.constant 0 : i32
      %lt3A_426 = vector.broadcast %lt3A_425 : i32 to vector<160x1xi32>
      %lt3A_427 = arith.cmpi slt, %rem3A_422, %lt3A_426 : vector<160x1xi32>
      %lt3A_428 = arith.constant 0 : i32
      %lt3A_429 = arith.cmpi slt, %select_n3A_421, %lt3A_428 : i32
      %ne3A_430 = vector.broadcast %lt3A_429 : i1 to vector<160x1xi1>
      %ne3A_431 = vector.broadcast %ne3A_430 : vector<160x1xi1> to vector<160x1xi1>
      %ne3A_432 = arith.xori %lt3A_427, %ne3A_431 : vector<160x1xi1>
      %and3A = arith.andi %ne3A_432, %ne3A_424 : vector<160x1xi1>
      %add3A = vector.broadcast %select_n3A_421 : i32 to vector<160x1xi32>
      %add3A_433 = arith.addi %rem3A_422, %add3A : vector<160x1xi32>
      %select_n3A_434 = arith.select %and3A, %add3A_433, %rem3A_422 : vector<160x1xi1>, vector<160x1xi32>
      %sub3A = arith.constant 10 : i32
      %sub3A_435 = vector.broadcast %sub3A : i32 to vector<160x1xi32>
      %sub3A_436 = arith.subi %get3A_416, %sub3A_435 : vector<160x1xi32>
      %max3A_437 = arith.constant 0 : i32
      %max3A_438 = vector.broadcast %max3A_437 : i32 to vector<160x1xi32>
      %max3A_439 = arith.maxsi %sub3A_436, %max3A_438 : vector<160x1xi32>
      %add3A_440 = arith.addi %max3A_439, %select_n3A_434 : vector<160x1xi32>
      %jit3A_441 = arith.constant 0 : i32
      %jit3A_442 = arith.constant 19 : i32
      %max3A_443 = vector.broadcast %jit3A_441 : i32 to vector<160x1xi32>
      %max3A_444 = arith.maxsi %max3A_443, %add3A_440 : vector<160x1xi32>
      %min3A = vector.broadcast %jit3A_442 : i32 to vector<160x1xi32>
      %min3A_445 = arith.minsi %min3A, %max3A_444 : vector<160x1xi32>
      %sub3A_446 = arith.subi %get3A_416, %max3A_439 : vector<160x1xi32>
      %lt3A_447 = arith.cmpi slt, %select_n3A_434, %sub3A_446 : vector<160x1xi32>
      %convert_element_type3A_448 = arith.extui %lt3A_447 : vector<160x1xi1> to vector<160x1xi32>
      %convert_element_type3A_449 = arith.sitofp %convert_element_type3A_448 : vector<160x1xi32> to vector<160x1xf32>
      %iota3A_450 = tpu.iota {dimensions = array<i32: 1>} : vector<160x32xi32>
      %eq3A_451 = vector.broadcast %min3A_445 : vector<160x1xi32> to vector<160x32xi32>
      %eq3A_452 = arith.cmpi eq, %iota3A_450, %eq3A_451 : vector<160x32xi32>
      %convert_element_type3A_453 = arith.extui %eq3A_452 : vector<160x32xi1> to vector<160x32xi32>
      %convert_element_type3A_454 = arith.sitofp %convert_element_type3A_453 : vector<160x32xi32> to vector<160x32xf32>
      %dot_general3A = arith.constant dense<0.000000e+00> : vector<160x128xf32>
      %dot_general3A_455 = tpu.matmul %convert_element_type3A_454, %select_n3A_413, %dot_general3A {dimension_numbers = #tpu.dot_dimension_numbers<[1], [0], [0], [1], [0, 0, 1, 1], [], []>, transpose_lhs_hint = false} : vector<160x32xf32>, vector<32x128xf32>, vector<160x128xf32> -> vector<160x128xf32>
      %mul3A = vector.broadcast %convert_element_type3A_449 : vector<160x1xf32> to vector<160x128xf32>
      %mul3A_456 = arith.mulf %dot_general3A_455, %mul3A : vector<160x128xf32>
      %swap3A_457 = arith.constant 0 : index
      %swap3A_458 = arith.constant 0 : index
      %swap3A_459 = vector.load %arg4[%swap3A_457, %swap3A_458] : memref<160x128xf32, #tpu.memory_space<vmem>>, vector<160x128xf32>
      tpu.vector_store %arg4[%swap3A_457, %swap3A_458], %mul3A_456 {strides = array<i32>} : memref<160x128xf32, #tpu.memory_space<vmem>>, vector<160x128xf32>,
    } else {
    }
    return
  }
  func.func @transform_0(%arg0: i32) -> (i32, i32) {
    %c0_i32 = arith.constant 0 : i32
    %c0_i32_0 = arith.constant 0 : i32
    return %arg0, %c0_i32 : i32, i32
  }
  func.func @transform_1(%arg0: i32) -> (i32, i32) {
    %c0_i32 = arith.constant 0 : i32
    %c0_i32_0 = arith.constant 0 : i32
    return %arg0, %c0_i32 : i32, i32
  }
  func.func @transform_2(%arg0: i32) -> (i32, i32) {
    %c0_i32 = arith.constant 0 : i32
    %c0_i32_0 = arith.constant 0 : i32
    %c0_i32_1 = arith.constant 0 : i32
    return %c0_i32, %c0_i32_0 : i32, i32
  }
  func.func @transform_3(%arg0: i32) -> (i32, i32) {
    %c0_i32 = arith.constant 0 : i32
    %c0_i32_0 = arith.constant 0 : i32
    %c0_i32_1 = arith.constant 0 : i32
    return %c0_i32, %c0_i32_0 : i32, i32
  }
}

</mosaic_0001>

<sc_bundles>
// kernel: kernel.10.cloned.1.call-start
scs
__scs_entry_jumppad:
0x0: {  	(pc) =	sbr.rel $0x88, $3  }
0x1: {  	(tag) =	ssettag $0x0;
	lr =	simm.s32 $0x1  }
0x2: {  	[smem:$0x3F95] =	sst lr;
	_ =	strace $0xD0000000  }
0x3: {  	_ = 	snop  }
0x4: {  	_ = 	snop  }
0x5: {  	_ = 	snop  }
0x6: {  	_ = 	snop  }
0x7: {  	_ = 	snop  }
__scs_overlays_trampoline_lowered:
0x8: {  	[smem:$0x3FA4] =	sst s0  }
0x9: {  	[smem:$0x3FA5] =	sst s1  }
0xa: {  	[smem:$0x3FA6] =	sst s2  }
0xb: {  	[smem:$0x3FA7] =	sst s3  }
0xc: {  	[smem:$0x3FA8] =	sst s4  }
0xd: {  	[smem:$0x3FA9] =	sst s5  }
0xe: {  	[smem:$0x3FAA] =	sst s6  }
0xf: {  	[smem:$0x3FAB] =	sst s7  }
0x10: {  	[smem:$0x3FAC] =	sst s8  }
0x11: {  	[smem:$0x3FAD] =	sst s9;
	s0 =	simm.s32 @!p0 $0x0  }
0x12: {  	s1 =	sld [smem:$0x3F93];
	s0 =	simm.s32 @p0 $0x1  }
0x13: {  	[smem:$0x3FAE] =	sst s0;
	s0 =	simm.s32 @!p1 $0x0  }
0x14: {  	s2 =	sld [smem:$0x3F92];
	s0 =	simm.s32 @p1 $0x1  }
0x15: {  	[smem:$0x3FAF] =	sst s0;
	s0 =	simm.s32 @!p2 $0x0  }
0x16: {  	s3 =	sld [smem:$0x3FDB];
	s0 =	simm.s32 @p2 $0x1  }
0x17: {  	s4 =	simm.s32 $0x1BF5;
	[smem:$0x3FB1] =	sst s0  }
0x18: {  	s0 =	sld [smem:$0x3F94];
	_ =	swait.ge [sflag:s4], $0x0  }
0x19: {  	s7 =	sld [smem:$0x3F95]  }
0x1a: {  	s8 =	sadd.s32 $0xFFFFE003, lr  }
0x1b: {  	s9 =	sadd.s32 $0xFFFFFEF7, lr;
	s5 =	simm.s32 $0xFFFFFFFF;
	p2 =	slt.u32 s8, $0xFFFFF086  }
0x1c: {  	p1 =	slt.u32 s9, $0xF7A;
	s5 =	simm.s32 @!p2 $0x0  }
0x1d: {  	s5 =	simm.s32 @p1 $0x1;
	p0 =	seq.s32 s7, s2  }
0x1e: {  	s7 =	smul.u32 @!p0 $0xF7A, s2;
	p2 =	seq.s32 @!p0 s5, $0x0  }
0x1f: {  	s9 =	smul.u32 $0xF7A, s1;
	s8 =	simm.s32 @!p0 $0x1BF5;
	p2 =	por !p2, p0  }
0x20: {  	[sflag:s8] =	ssyncset.s32 @!p0 $0xFFFFF086;
	s6 =	sadd.s32 @!p0 s3, s7;
	s7 =	simm.s32 @!p0 $0x108  }
0x21: {  	s3 =	sadd.s32 s3, s9;
	s6 =	sadd.s32 @!p0 $0x88, s6;
	s7 =	simm.s32 @p2 $0x1082  }
0x22: {  	[simem:s7], [sflag:s8] =	dma.local @!p0 [hbm:s6], $0xF7A  }
0x23: {  	s9 =	sor.u32 $0xD0000000, s2;
	s6 =	simm.s32 $0x108;
	_ =	swait.ge @!p0 [sflag:s8], $0x0  }
0x24: {  	s3 =	sadd.s32 $0x88, s3;
	s6 =	simm.s32 @!p1 $0x1082;
	[sflag:s4] =	ssyncset.s32 $0xFFFFF086  }
0x25: {  	[simem:s6], [sflag:s4] =	dma.local [hbm:s3], $0xF7A  }
0x26: {  	[smem:$0x3F95] =	sst s1;
	(tag) =	ssettag s2;
	_ =	strace s9  }
0x27: {  	s1 =	sld [smem:$0x3FA5]  }
0x28: {  	s2 =	sld [smem:$0x3FA6]  }
0x29: {  	s4 =	sld [smem:$0x3FA8]  }
0x2a: {  	p0 =	seq.s32 s5, $0x0;
	s5 =	sld [smem:$0x3FA9]  }
0x2b: {  	s6 =	sld [smem:$0x3FAA]  }
0x2c: {  	s7 =	sld [smem:$0x3FAB]  }
0x2d: {  	s3 =	simm.s32 $0x108;
	s8 =	sld [smem:$0x3FAC]  }
0x2e: {  	s3 =	simm.s32 @!p0 $0x1082;
	s9 =	sld [smem:$0x3FAD]  }
0x2f: {  	lr =	sadd.s32 s0, s3;
	s0 =	sld [smem:$0x3FA4]  }
0x30: {  	s3 =	sld [smem:$0x3FA7]  }
0x31: {  	[smem:$0x3FB0] =	sst s10  }
0x32: {  	s10 =	sld [smem:$0x3FAE];
	_ =	sdelay $0x3  }
0x33: {  	p0 =	seq.s32 s10, $0x1;
	s10 =	sld [smem:$0x3FB0];
	_ =	sdelay $0x3  }
0x34: {  	[smem:$0x3FB0] =	sst s10  }
0x35: {  	s10 =	sld [smem:$0x3FAF];
	_ =	sdelay $0x3  }
0x36: {  	p1 =	seq.s32 s10, $0x1;
	s10 =	sld [smem:$0x3FB0];
	_ =	sdelay $0x3  }
0x37: {  	[smem:$0x3FB0] =	sst s10  }
0x38: {  	s10 =	sld [smem:$0x3FB1]  }
0x39: {  	_ = 	snop;
	(pc) =	sbr.ind lr, $3  }
0x3a: {  	_ = 	snop  }
0x3b: {  	_ = 	snop  }
0x3c: {  	p2 =	seq.s32 s10, $0x1;
	s10 =	sld [smem:$0x3FB0]  }
0x3d: {  	_ =	shalt  }
0x3e: {  	_ =	shalt  }
0x3f: {  	_ =	shalt  }
0x40: {  	_ =	shalt  }
0x41: {  	_ =	shalt  }
0x42: {  	_ =	shalt  }
0x43: {  	_ =	shalt  }
0x44: {  	_ =	shalt  }
0x45: {  	_ =	shalt  }
0x46: {  	_ =	shalt  }
0x47: {  	_ =	shalt  }
0x48: {  	_ =	shalt  }
0x49: {  	_ =	shalt  }
0x4a: {  	_ =	shalt  }
0x4b: {  	_ =	shalt  }
0x4c: {  	_ =	shalt  }
0x4d: {  	_ =	shalt  }
0x4e: {  	_ =	shalt  }
0x4f: {  	_ =	shalt  }
0x50: {  	_ =	shalt  }
0x51: {  	_ =	shalt  }
0x52: {  	_ =	shalt  }
0x53: {  	_ =	shalt  }
0x54: {  	_ =	shalt  }
0x55: {  	_ =	shalt  }
0x56: {  	_ =	shalt  }
0x57: {  	_ =	shalt  }
0x58: {  	_ =	shalt  }
0x59: {  	_ =	shalt  }
0x5a: {  	_ =	shalt  }
0x5b: {  	_ =	shalt  }
0x5c: {  	_ =	shalt  }
0x5d: {  	_ =	shalt  }
0x5e: {  	_ =	shalt  }
0x5f: {  	_ =	shalt  }
0x60: {  	_ =	shalt  }
0x61: {  	_ =	shalt  }
0x62: {  	_ =	shalt  }
0x63: {  	_ =	shalt  }
0x64: {  	_ =	shalt  }
0x65: {  	_ =	shalt  }
0x66: {  	_ =	shalt  }
0x67: {  	_ =	shalt  }
0x68: {  	_ =	shalt  }
0x69: {  	_ =	shalt  }
0x6a: {  	_ =	shalt  }
0x6b: {  	_ =	shalt  }
0x6c: {  	_ =	shalt  }
0x6d: {  	_ =	shalt  }
0x6e: {  	_ =	shalt  }
0x6f: {  	_ =	shalt  }
0x70: {  	_ =	shalt  }
0x71: {  	_ =	shalt  }
0x72: {  	_ =	shalt  }
0x73: {  	_ =	shalt  }
0x74: {  	_ =	shalt  }
0x75: {  	_ =	shalt  }
0x76: {  	_ =	shalt  }
0x77: {  	_ =	shalt  }
0x78: {  	_ =	shalt  }
0x79: {  	_ =	shalt  }
0x7a: {  	_ =	shalt  }
0x7b: {  	_ =	shalt  }
0x7c: {  	_ =	shalt  }
0x7d: {  	_ =	shalt  }
0x7e: {  	_ =	shalt  }
0x7f: {  	_ =	shalt  }
0x80: {  	_ =	shalt  }
0x81: {  	_ =	shalt  }
0x82: {  	_ =	shalt  }
0x83: {  	_ =	shalt  }
0x84: {  	_ =	shalt  }
0x85: {  	_ =	shalt  }
0x86: {  	_ =	shalt  }
0x87: {  	_ =	shalt  }
.Lfunc_end0:
.L_simem_size_0:
called_computation_lowered:
.L_overlay_start_0:
0x88: {  	s2 =	sld [smem:$0x3FD9]  }
0x89: {  	s3 =	sld [smem:$0x3FFE];
	_ =	sdelay $0x1  }
0x8a: {  	s1 =	srdreg.scid  }
0x8b: {  	s0 =	sand.u32 $0x1, s1  }
0x8c: {  	s17 =	sshll.u32 s0, $0xA;
	s2 =	sadd.s32 s3, s2  }
0x8d: {  	s2 =	sadd.s32 s2, s17  }
0x8e: {  	[smem:$0x3FBC] =	sst s2  }
0x8f: {  	_ = 	snop  }
0x90: {  	s2 =	sld [smem:$0x3FC8]  }
0x91: {  	s18 =	sld [smem:$0x3FD0];
	(tm) =	ssettm $0x1  }
0x92: {  	s4 =	sld [smem:$0x3FFB];
	_ =	sdelay $0x3  }
0x93: {  	_ =	strace s4  }
0x94: {  	s4 =	sld [smem:$0x3FFC];
	_ =	sdelay $0x3  }
0x95: {  	_ =	strace s4  }
0x96: {  	s4 =	sld [smem:$0x3FFD];
	_ =	sdelay $0x3  }
0x97: {  	_ =	strace s4  }
0x98: {  	_ =	strace $0x8FFFFFFF  }
0x99: {  	s19 =	sld [smem:$0x3FDB];
	_ =	sdelay $0x1  }
0x9a: {  	s5 =	simm.s32 $_scs_section_size  }
0x9b: {  	s6 =	simm.s32 $_size__tile_overlayer_lowered;
	s7 =	simm.s32 $_tile_overlayer_lowered  }
0x9c: {  	s22 =	simm.s32 $0x1BFF;
	s21 =	sshll.u32 s7, $0x1;
	s4 =	sadd.s32 s5, s19  }
0x9d: {  	s8 =	simm.s32 $0x0;
	s20 =	sshll.u32 s6, $0x1;
	s6 =	sadd.s32 s21, s4  }
0x9e: {  	[timem:s8], [sflag:s22] =	dma.local [hbm:s6], s20  }
0x9f: {  	_ =	swait.ge [sflag:s22], s20  }
0xa0: {  	s5 =	ssub.s32 $0x0, s20;
	[sflag:s22] =	ssyncset.done $0x0  }
0xa1: {  	[sflag:s22] =	ssyncadd.s32 s5;
	_ =	sdelay $0x1  }
0xa2: {  	s23 =	simm.s32 $0x1B8B  }
0xa3: {  	_ =	swait.ge [sflag:s23], $0x1  }
0xa4: {  	[sflag:s23] =	ssyncset.done $0x0  }
0xa5: {  	s25 =	simm.s32 $0x1B8E;
	s24 =	sld [smem:$0x3FFE];
	[sflag:s23] =	ssyncadd.s32 $0xFFFFFFFF  }
0xa6: {  	s26 =	simm.s32 $execute0_lowered;
	[smem:$0x3FD2] =	sst s25  }
0xa7: {  	s6 =	sshll.u32 s26, $0x1;
	_ =	strace $0x80000046;
	[dreg:$0x1] =	wrdreg $0xFFFFFFFF  }
0xa8: {  	s28 =	simm.s32 $_size_execute0_lowered;
	s4 =	sadd.s32 s4, s6;
	[dreg:$0x0] =	wrdreg $0x0  }
0xa9: {  	s6 =	sshll.u32 s28, $0x1;
	[dreg:$0x2] =	wrdreg s4  }
0xaa: {  	[dreg:$0x3] =	wrdreg s6  }
0xab: {  	[dreg:$0x4] =	wrdreg $0xC0  }
0xac: {  	_ =	task [dreg:s8], $0x5FFFF  }
0xad: {  	[dreg:$0x1] =	wrdreg $0xFFFFFFFF  }
0xae: {  	[dreg:$0x0] =	wrdreg $0x60  }
0xaf: {  	[dreg:$0x2] =	wrdreg s2  }
0xb0: {  	[dreg:$0x3] =	wrdreg s18  }
0xb1: {  	[dreg:$0x4] =	wrdreg s24  }
0xb2: {  	[dreg:$0x5] =	wrdreg $0x9  }
0xb3: {  	_ =	task.clear_ibuf [dreg:s8], $0x6FFFF;
	_ =	strace $0x90000046  }
0xb4: {  	s29 =	simm.s32 $0x9;
	_ =	strace $0x80000048  }
0xb5: {  	_ =	swait.ge [sflag:s29], $0x1  }
0xb6: {  	[sflag:s29] =	ssyncadd.s32 $0xFFFFFFFF  }
0xb7: {  	_ =	strace $0x90000048  }
0xb8: {  	_ =	sfence  }
0xb9: {  	s30 =	sld [smem:$0x0];
	_ =	sdelay $0x2  }
0xba: {  	s31 =	sshll.u32 s1, $0xD;
	s1 =	sshrl.u32 s1, $0x2  }
0xbb: {  	s3 =	sand.u32 $0x4000, s31;
	s1 =	sadd.s32 s1, s30  }
0xbc: {  	s0 =	sor.u32 s3, s0;
	s1 =	sshll.u32 s1, $0x11  }
0xbd: {  	s0 =	sor.u32 s1, s0  }
0xbe: {  	s0 =	sadd.s32 $0x8F2B, s0  }
0xbf: {  	[sflag:s0] =	ssyncadd.remote.s32 $0x1  }
0xc0: {  	_ =	sfence.sel $0xFFFF  }
0xc1: {  	[dreg:$0x0] =	wrdreg $0xFFFFFFFF;
	(pc) =	sbr.abs _section_cstart, $3  }
0xc2: {  	[dreg:$0x1] =	wrdreg $0xFFFFFFFF  }
0xc3: {  	_ =	task.clear_ibuf [dreg:s8], $0x2FFFF;
	_ =	strace $0x9FFFFFFF  }
0xc4: {  	(tm) =	ssettm $0x7FFFFFFF  }
0xc5: {  	_ =	shalt  }
tec
execute0_lowered:
.L_overlay_start_1:
0x0: {  	(tag) =	ssettag $0x1  }
0x1: {  	s0 =	srdreg.scid  }
0x2: {  	s17 =	sand.u32 $0x1, s0  }
0x3: {  	s2 =	rddreg [dreg:$0x0];
	s0 =	stileid.u32;
	s1 =	sshll.u32 s17, $0x4  }
0x4: {  	s16 =	rddreg [dreg:$0x1];
	s9 =	sor.u32 s0, s1  }
0x5: {  	s10 =	rddreg [dreg:$0x2];
	s3 =	simm.s32 $0x0;
	s18 =	smul.u32 $0x140, s9  }
0x6: {  	[smem:$0x7FF] =	sst s3  }
0x7: {  	s1 =	rddreg [dreg:$0x3];
	s4 =	sshrl.u32 s18, $0x3  }
0x8: {  	_ =	strace $0x80000047;
	s5 =	sadd.s32 s16, s4;
	s4 =	simm.s32 $0x2  }
0x9: {  	[tilespmem:s3], [sflag:$0x2] =	stream.linear.gather [hbm4b:s5+s3], $0x40, $0x38;
	[tilespmem:$0x2080] =	vst v63  }
0xa: {  	_ =	swait.ge [sflag:s4], $0x40  }
0xb: {  	s6 =	simm.s32 $0x40;
	[sflag:s4] =	ssyncset.done $0x0  }
0xc: {  	s7 =	simm.s32 $0x80;
	s8 =	simm.s32 $0x1;
	[sflag:s4] =	ssyncadd.s32 $0xFFFFFFC0  }
0xd: {  	[tilespmem:s7], [sflag:$0x1] =	stream.indirect.gather [hbm4b:s2+s6], $0x80, s3, s6, $0xb8;
	[tilespmem:$0x2080] =	vst v63  }
0xe: {  	s9 =	smul.u32 $0x1400, s9;
	_ =	swait.ge [sflag:s8], $0x2000  }
0xf: {  	s19 =	sadd.s32 $0x2400, s10;
	[sflag:s8] =	ssyncset.done $0x0  }
0x10: {  	s9 =	sadd.s32 s19, s9;
	[sflag:s8] =	ssyncadd.s32 $0xFFFFE000  }
0x11: {  	[hbm4b:s9+s3] =	stream.linear.scatter [tilespmem:s7], [sflag:$0x2], $0x2000, $0x38;
	[tilespmem:$0x2080] =	vst v63  }
0x12: {  	s11 =	sadd.s32 $0x40, s18;
	_ =	swait.ge [sflag:s4], $0x2000  }
0x13: {  	s28 =	sshrl.u32 s11, $0x3;
	[sflag:s4] =	ssyncset.done $0x0  }
0x14: {  	s10 =	sadd.s32 s16, s28;
	[sflag:s4] =	ssyncadd.s32 $0xFFFFE000  }
0x15: {  	[tilespmem:s3], [sflag:$0x2] =	stream.linear.gather [hbm4b:s10+s3], $0x40, $0x38;
	[tilespmem:$0x2080] =	vst v63  }
0x16: {  	_ =	swait.ge [sflag:s4], $0x40  }
0x17: {  	[sflag:s4] =	ssyncset.done $0x0  }
0x18: {  	[sflag:s4] =	ssyncadd.s32 $0xFFFFFFC0  }
0x19: {  	[tilespmem:s7], [sflag:$0x1] =	stream.indirect.gather [hbm4b:s2+s6], $0x80, s3, s6, $0xb8;
	[tilespmem:$0x2080] =	vst v63  }
0x1a: {  	_ =	swait.ge [sflag:s8], $0x2000  }
0x1b: {  	s11 =	sshll.u32 s11, $0x4;
	[sflag:s8] =	ssyncset.done $0x0  }
0x1c: {  	s11 =	sadd.s32 s19, s11;
	[sflag:s8] =	ssyncadd.s32 $0xFFFFE000  }
0x1d: {  	[hbm4b:s11+s3] =	stream.linear.scatter [tilespmem:s7], [sflag:$0x2], $0x2000, $0x38;
	[tilespmem:$0x2080] =	vst v63  }
0x1e: {  	s13 =	sadd.s32 $0x80, s18;
	_ =	swait.ge [sflag:s4], $0x2000  }
0x1f: {  	s12 =	sshrl.u32 s13, $0x3;
	[sflag:s4] =	ssyncset.done $0x0  }
0x20: {  	s12 =	sadd.s32 s16, s12;
	[sflag:s4] =	ssyncadd.s32 $0xFFFFE000  }
0x21: {  	[tilespmem:s3], [sflag:$0x2] =	stream.linear.gather [hbm4b:s12+s3], $0x40, $0x38;
	[tilespmem:$0x2080] =	vst v63  }
0x22: {  	_ =	swait.ge [sflag:s4], $0x40  }
0x23: {  	[sflag:s4] =	ssyncset.done $0x0  }
0x24: {  	[sflag:s4] =	ssyncadd.s32 $0xFFFFFFC0  }
0x25: {  	[tilespmem:s7], [sflag:$0x1] =	stream.indirect.gather [hbm4b:s2+s6], $0x80, s3, s6, $0xb8;
	[tilespmem:$0x2080] =	vst v63  }
0x26: {  	_ =	swait.ge [sflag:s8], $0x2000  }
0x27: {  	s13 =	sshll.u32 s13, $0x4;
	[sflag:s8] =	ssyncset.done $0x0  }
0x28: {  	s13 =	sadd.s32 s19, s13;
	[sflag:s8] =	ssyncadd.s32 $0xFFFFE000  }
0x29: {  	[hbm4b:s13+s3] =	stream.linear.scatter [tilespmem:s7], [sflag:$0x2], $0x2000, $0x38;
	[tilespmem:$0x2080] =	vst v63  }
0x2a: {  	s15 =	sadd.s32 $0xC0, s18;
	_ =	swait.ge [sflag:s4], $0x2000  }
0x2b: {  	s14 =	sshrl.u32 s15, $0x3;
	[sflag:s4] =	ssyncset.done $0x0  }
0x2c: {  	s14 =	sadd.s32 s16, s14;
	[sflag:s4] =	ssyncadd.s32 $0xFFFFE000  }
0x2d: {  	[tilespmem:s3], [sflag:$0x2] =	stream.linear.gather [hbm4b:s14+s3], $0x40, $0x38;
	[tilespmem:$0x2080] =	vst v63  }
0x2e: {  	_ =	swait.ge [sflag:s4], $0x40  }
0x2f: {  	[sflag:s4] =	ssyncset.done $0x0  }
0x30: {  	[sflag:s4] =	ssyncadd.s32 $0xFFFFFFC0  }
0x31: {  	[tilespmem:s7], [sflag:$0x1] =	stream.indirect.gather [hbm4b:s2+s6], $0x80, s3, s6, $0xb8;
	[tilespmem:$0x2080] =	vst v63  }
0x32: {  	_ =	swait.ge [sflag:s8], $0x2000  }
0x33: {  	s15 =	sshll.u32 s15, $0x4;
	[sflag:s8] =	ssyncset.done $0x0  }
0x34: {  	s15 =	sadd.s32 s19, s15;
	[sflag:s8] =	ssyncadd.s32 $0xFFFFE000  }
0x35: {  	[hbm4b:s15+s3] =	stream.linear.scatter [tilespmem:s7], [sflag:$0x2], $0x2000, $0x38;
	[tilespmem:$0x2080] =	vst v63  }
0x36: {  	s18 =	sadd.s32 $0x100, s18;
	_ =	swait.ge [sflag:s4], $0x2000  }
0x37: {  	s20 =	sshrl.u32 s18, $0x3;
	[sflag:s4] =	ssyncset.done $0x0  }
0x38: {  	s17 =	ssub.s32 $0x2, s17;
	s16 =	sadd.s32 s16, s20;
	[sflag:s4] =	ssyncadd.s32 $0xFFFFE000  }
0x39: {  	[tilespmem:s3], [sflag:$0x2] =	stream.linear.gather [hbm4b:s16+s3], $0x40, $0x38;
	[tilespmem:$0x2080] =	vst v63  }
0x3a: {  	s29 =	sshrl.u32 s17, $0x1;
	_ =	swait.ge [sflag:s4], $0x40  }
0x3b: {  	s20 =	ssub.s32 s17, s29;
	[sflag:s4] =	ssyncset.done $0x0  }
0x3c: {  	s31 =	smax.u32 s20, $0x1;
	[sflag:s4] =	ssyncadd.s32 $0xFFFFFFC0  }
0x3d: {  	[tilespmem:s7], [sflag:$0x1] =	stream.indirect.gather [hbm4b:s2+s6], $0x80, s3, s6, $0xb8;
	[tilespmem:$0x2080] =	vst v63  }
0x3e: {  	p0 =	sne.s32 s31, $0x1;
	_ =	swait.ge [sflag:s8], $0x2000  }
.Ltmp0:
0x3f: {  	s30 =	sshll.u32 s18, $0x4;
	[sflag:s8] =	ssyncset.done $0x0;
	(pc) =	sbr.rel @!p0 .LBB2_2-.Ltmp0, $4  }
0x40: {  	s17 =	sadd.s32 s19, s30;
	[sflag:s8] =	ssyncadd.s32 $0xFFFFE000  }
0x41: {  	[hbm4b:s17+s3] =	stream.linear.scatter [tilespmem:s7], [sflag:$0x2], $0x2000, $0x38;
	[tilespmem:$0x2080] =	vst v63  }
0x42: {  	_ =	swait.ge [sflag:s4], $0x2000  }
0x43: {  	s18 =	sadd.s32 $0xFFFFFFFF, s31;
	[sflag:s4] =	ssyncset.done $0x0  }
.LBB2_1:
0x44: {  	p0 =	sne.s32 s18, $0x1;
	s18 =	sadd.s32 $0xFFFFFFFF, s18;
	[sflag:s4] =	ssyncadd.s32 $0xFFFFE000  }
0x45: {  	[tilespmem:s3], [sflag:$0x2] =	stream.linear.gather [hbm4b:s5+s3], $0x40, $0x38;
	[tilespmem:$0x2080] =	vst v63  }
0x46: {  	_ =	swait.ge [sflag:s4], $0x40  }
0x47: {  	[sflag:s4] =	ssyncset.done $0x0  }
0x48: {  	[sflag:s4] =	ssyncadd.s32 $0xFFFFFFC0  }
0x49: {  	[tilespmem:s7], [sflag:$0x1] =	stream.indirect.gather [hbm4b:s2+s6], $0x80, s3, s6, $0xb8;
	[tilespmem:$0x2080] =	vst v63  }
0x4a: {  	_ =	swait.ge [sflag:s8], $0x2000  }
0x4b: {  	[sflag:s8] =	ssyncset.done $0x0  }
0x4c: {  	[sflag:s8] =	ssyncadd.s32 $0xFFFFE000  }
0x4d: {  	[hbm4b:s9+s3] =	stream.linear.scatter [tilespmem:s7], [sflag:$0x2], $0x2000, $0x38;
	[tilespmem:$0x2080] =	vst v63  }
0x4e: {  	_ =	swait.ge [sflag:s4], $0x2000  }
0x4f: {  	[sflag:s4] =	ssyncset.done $0x0  }
0x50: {  	[sflag:s4] =	ssyncadd.s32 $0xFFFFE000  }
0x51: {  	[tilespmem:s3], [sflag:$0x2] =	stream.linear.gather [hbm4b:s10+s3], $0x40, $0x38;
	[tilespmem:$0x2080] =	vst v63  }
0x52: {  	_ =	swait.ge [sflag:s4], $0x40  }
0x53: {  	[sflag:s4] =	ssyncset.done $0x0  }
0x54: {  	[sflag:s4] =	ssyncadd.s32 $0xFFFFFFC0  }
0x55: {  	[tilespmem:s7], [sflag:$0x1] =	stream.indirect.gather [hbm4b:s2+s6], $0x80, s3, s6, $0xb8;
	[tilespmem:$0x2080] =	vst v63  }
0x56: {  	_ =	swait.ge [sflag:s8], $0x2000  }
0x57: {  	[sflag:s8] =	ssyncset.done $0x0  }
0x58: {  	[sflag:s8] =	ssyncadd.s32 $0xFFFFE000  }
0x59: {  	[hbm4b:s11+s3] =	stream.linear.scatter [tilespmem:s7], [sflag:$0x2], $0x2000, $0x38;
	[tilespmem:$0x2080] =	vst v63  }
0x5a: {  	_ =	swait.ge [sflag:s4], $0x2000  }
0x5b: {  	[sflag:s4] =	ssyncset.done $0x0  }
0x5c: {  	[sflag:s4] =	ssyncadd.s32 $0xFFFFE000  }
0x5d: {  	[tilespmem:s3], [sflag:$0x2] =	stream.linear.gather [hbm4b:s12+s3], $0x40, $0x38;
	[tilespmem:$0x2080] =	vst v63  }
0x5e: {  	_ =	swait.ge [sflag:s4], $0x40  }
0x5f: {  	[sflag:s4] =	ssyncset.done $0x0  }
0x60: {  	[sflag:s4] =	ssyncadd.s32 $0xFFFFFFC0  }
0x61: {  	[tilespmem:s7], [sflag:$0x1] =	stream.indirect.gather [hbm4b:s2+s6], $0x80, s3, s6, $0xb8;
	[tilespmem:$0x2080] =	vst v63  }
0x62: {  	_ =	swait.ge [sflag:s8], $0x2000  }
0x63: {  	[sflag:s8] =	ssyncset.done $0x0  }
0x64: {  	[sflag:s8] =	ssyncadd.s32 $0xFFFFE000  }
0x65: {  	[hbm4b:s13+s3] =	stream.linear.scatter [tilespmem:s7], [sflag:$0x2], $0x2000, $0x38;
	[tilespmem:$0x2080] =	vst v63  }
0x66: {  	_ =	swait.ge [sflag:s4], $0x2000  }
0x67: {  	[sflag:s4] =	ssyncset.done $0x0  }
0x68: {  	[sflag:s4] =	ssyncadd.s32 $0xFFFFE000  }
0x69: {  	[tilespmem:s3], [sflag:$0x2] =	stream.linear.gather [hbm4b:s14+s3], $0x40, $0x38;
	[tilespmem:$0x2080] =	vst v63  }
0x6a: {  	_ =	swait.ge [sflag:s4], $0x40  }
0x6b: {  	[sflag:s4] =	ssyncset.done $0x0  }
0x6c: {  	[sflag:s4] =	ssyncadd.s32 $0xFFFFFFC0  }
0x6d: {  	[tilespmem:s7], [sflag:$0x1] =	stream.indirect.gather [hbm4b:s2+s6], $0x80, s3, s6, $0xb8;
	[tilespmem:$0x2080] =	vst v63  }
0x6e: {  	_ =	swait.ge [sflag:s8], $0x2000  }
0x6f: {  	[sflag:s8] =	ssyncset.done $0x0  }
0x70: {  	[sflag:s8] =	ssyncadd.s32 $0xFFFFE000  }
0x71: {  	[hbm4b:s15+s3] =	stream.linear.scatter [tilespmem:s7], [sflag:$0x2], $0x2000, $0x38;
	[tilespmem:$0x2080] =	vst v63  }
0x72: {  	_ =	swait.ge [sflag:s4], $0x2000  }
0x73: {  	[sflag:s4] =	ssyncset.done $0x0  }
0x74: {  	[sflag:s4] =	ssyncadd.s32 $0xFFFFE000  }
0x75: {  	[tilespmem:s3], [sflag:$0x2] =	stream.linear.gather [hbm4b:s16+s3], $0x40, $0x38;
	[tilespmem:$0x2080] =	vst v63  }
0x76: {  	_ =	swait.ge [sflag:s4], $0x40  }
0x77: {  	[sflag:s4] =	ssyncset.done $0x0  }
0x78: {  	[sflag:s4] =	ssyncadd.s32 $0xFFFFFFC0  }
0x79: {  	[tilespmem:s7], [sflag:$0x1] =	stream.indirect.gather [hbm4b:s2+s6], $0x80, s3, s6, $0xb8;
	[tilespmem:$0x2080] =	vst v63  }
0x7a: {  	_ =	swait.ge [sflag:s8], $0x2000  }
.Ltmp1:
0x7b: {  	[sflag:s8] =	ssyncset.done $0x0;
	(pc) =	sbr.rel @p0 .LBB2_1-.Ltmp1, $4  }
0x7c: {  	[sflag:s8] =	ssyncadd.s32 $0xFFFFE000  }
0x7d: {  	[hbm4b:s17+s3] =	stream.linear.scatter [tilespmem:s7], [sflag:$0x2], $0x2000, $0x38;
	[tilespmem:$0x2080] =	vst v63  }
0x7e: {  	_ =	swait.ge [sflag:s4], $0x2000  }
0x7f: {  	[sflag:s4] =	ssyncset.done $0x0  }
.LBB2_2:
0x80: {  	[sflag:s4] =	ssyncadd.s32 $0xFFFFE000  }
0x81: {  	_ =	sfence.sel $0x180000  }
0x82: {  	[bflag:$0x0] =	sbarrier.arrive $0xFFFF  }
0x83: {  	p0 =	sne.s32 s0, $0x0;
	_ =	strace $0x90000047  }
0x84: {  	s0 =	sadd.s32 @!p0 $0x100000, s1;
	[bflag:$0x2] =	sbarrier.arrive $0xFFFF  }
0x85: {  	[sflag:s0] =	ssyncadd.tile.s32 @!p0 $0x1;
	_ =	shalt  }
.Lfunc_end2:
_tile_overlayer_lowered:
.L_overlay_start_2:
0x86: {  	(tag) =	ssettag $0x2  }
0x87: {  	s0 =	rddreg [dreg:$0x0];
	s2 =	stileid.u32  }
0x88: {  	s1 =	rddreg [dreg:$0x1];
	p0 =	sne.s32 s2, $0x0  }
0x89: {  	s3 =	rddreg [dreg:$0x2];
	[bflag:$0x3] =	sbarrier.arrive $0xFFFF;
	s2 =	simm.s32 @!p0 $0x1C02  }
0x8a: {  	[timem:s3], [sflag:s2] =	dma.local @!p0 [hbm:s0], s1  }
0x8b: {  	s0 =	simm.s32 @!p0 $0x2  }
0x8c: {  	_ =	swait.ge @!p0 [sflag:s0], s1  }
0x8d: {  	s1 =	ssub.s32 @!p0 $0x0, s1;
	[sflag:s0] =	ssyncset.done @!p0 $0x0  }
0x8e: {  	[sflag:s0] =	ssyncadd.s32 @!p0 s1  }
0x8f: {  	[bflag:$0x3] =	sbarrier.arrive $0xFFFF  }
0x90: {  	_ =	shalt  }

// kernel: kernel.13.cloned.1.call-start
scs
__scs_entry_jumppad:
0x0: {  	(pc) =	sbr.rel $0x88, $3  }
0x1: {  	(tag) =	ssettag $0x0;
	lr =	simm.s32 $0x1  }
0x2: {  	[smem:$0x3F95] =	sst lr;
	_ =	strace $0xD0000000  }
0x3: {  	_ = 	snop  }
0x4: {  	_ = 	snop  }
0x5: {  	_ = 	snop  }
0x6: {  	_ = 	snop  }
0x7: {  	_ = 	snop  }
__scs_overlays_trampoline_lowered:
0x8: {  	[smem:$0x3FA4] =	sst s0  }
0x9: {  	[smem:$0x3FA5] =	sst s1  }
0xa: {  	[smem:$0x3FA6] =	sst s2  }
0xb: {  	[smem:$0x3FA7] =	sst s3  }
0xc: {  	[smem:$0x3FA8] =	sst s4  }
0xd: {  	[smem:$0x3FA9] =	sst s5  }
0xe: {  	[smem:$0x3FAA] =	sst s6  }
0xf: {  	[smem:$0x3FAB] =	sst s7  }
0x10: {  	[smem:$0x3FAC] =	sst s8  }
0x11: {  	[smem:$0x3FAD] =	sst s9;
	s0 =	simm.s32 @!p0 $0x0  }
0x12: {  	s1 =	sld [smem:$0x3F93];
	s0 =	simm.s32 @p0 $0x1  }
0x13: {  	[smem:$0x3FAE] =	sst s0;
	s0 =	simm.s32 @!p1 $0x0  }
0x14: {  	s2 =	sld [smem:$0x3F92];
	s0 =	simm.s32 @p1 $0x1  }
0x15: {  	[smem:$0x3FAF] =	sst s0;
	s0 =	simm.s32 @!p2 $0x0  }
0x16: {  	s3 =	sld [smem:$0x3FDB];
	s0 =	simm.s32 @p2 $0x1  }
0x17: {  	s4 =	simm.s32 $0x1BF5;
	[smem:$0x3FB1] =	sst s0  }
0x18: {  	s0 =	sld [smem:$0x3F94];
	_ =	swait.ge [sflag:s4], $0x0  }
0x19: {  	s7 =	sld [smem:$0x3F95]  }
0x1a: {  	s8 =	sadd.s32 $0xFFFFE003, lr  }
0x1b: {  	s9 =	sadd.s32 $0xFFFFFEF7, lr;
	s5 =	simm.s32 $0xFFFFFFFF;
	p2 =	slt.u32 s8, $0xFFFFF086  }
0x1c: {  	p1 =	slt.u32 s9, $0xF7A;
	s5 =	simm.s32 @!p2 $0x0  }
0x1d: {  	s5 =	simm.s32 @p1 $0x1;
	p0 =	seq.s32 s7, s2  }
0x1e: {  	s7 =	smul.u32 @!p0 $0xF7A, s2;
	p2 =	seq.s32 @!p0 s5, $0x0  }
0x1f: {  	s9 =	smul.u32 $0xF7A, s1;
	s8 =	simm.s32 @!p0 $0x1BF5;
	p2 =	por !p2, p0  }
0x20: {  	[sflag:s8] =	ssyncset.s32 @!p0 $0xFFFFF086;
	s6 =	sadd.s32 @!p0 s3, s7;
	s7 =	simm.s32 @!p0 $0x108  }
0x21: {  	s3 =	sadd.s32 s3, s9;
	s6 =	sadd.s32 @!p0 $0x88, s6;
	s7 =	simm.s32 @p2 $0x1082  }
0x22: {  	[simem:s7], [sflag:s8] =	dma.local @!p0 [hbm:s6], $0xF7A  }
0x23: {  	s9 =	sor.u32 $0xD0000000, s2;
	s6 =	simm.s32 $0x108;
	_ =	swait.ge @!p0 [sflag:s8], $0x0  }
0x24: {  	s3 =	sadd.s32 $0x88, s3;
	s6 =	simm.s32 @!p1 $0x1082;
	[sflag:s4] =	ssyncset.s32 $0xFFFFF086  }
0x25: {  	[simem:s6], [sflag:s4] =	dma.local [hbm:s3], $0xF7A  }
0x26: {  	[smem:$0x3F95] =	sst s1;
	(tag) =	ssettag s2;
	_ =	strace s9  }
0x27: {  	s1 =	sld [smem:$0x3FA5]  }
0x28: {  	s2 =	sld [smem:$0x3FA6]  }
0x29: {  	s4 =	sld [smem:$0x3FA8]  }
0x2a: {  	p0 =	seq.s32 s5, $0x0;
	s5 =	sld [smem:$0x3FA9]  }
0x2b: {  	s6 =	sld [smem:$0x3FAA]  }
0x2c: {  	s7 =	sld [smem:$0x3FAB]  }
0x2d: {  	s3 =	simm.s32 $0x108;
	s8 =	sld [smem:$0x3FAC]  }
0x2e: {  	s3 =	simm.s32 @!p0 $0x1082;
	s9 =	sld [smem:$0x3FAD]  }
0x2f: {  	lr =	sadd.s32 s0, s3;
	s0 =	sld [smem:$0x3FA4]  }
0x30: {  	s3 =	sld [smem:$0x3FA7]  }
0x31: {  	[smem:$0x3FB0] =	sst s10  }
0x32: {  	s10 =	sld [smem:$0x3FAE];
	_ =	sdelay $0x3  }
0x33: {  	p0 =	seq.s32 s10, $0x1;
	s10 =	sld [smem:$0x3FB0];
	_ =	sdelay $0x3  }
0x34: {  	[smem:$0x3FB0] =	sst s10  }
0x35: {  	s10 =	sld [smem:$0x3FAF];
	_ =	sdelay $0x3  }
0x36: {  	p1 =	seq.s32 s10, $0x1;
	s10 =	sld [smem:$0x3FB0];
	_ =	sdelay $0x3  }
0x37: {  	[smem:$0x3FB0] =	sst s10  }
0x38: {  	s10 =	sld [smem:$0x3FB1]  }
0x39: {  	_ = 	snop;
	(pc) =	sbr.ind lr, $3  }
0x3a: {  	_ = 	snop  }
0x3b: {  	_ = 	snop  }
0x3c: {  	p2 =	seq.s32 s10, $0x1;
	s10 =	sld [smem:$0x3FB0]  }
0x3d: {  	_ =	shalt  }
0x3e: {  	_ =	shalt  }
0x3f: {  	_ =	shalt  }
0x40: {  	_ =	shalt  }
0x41: {  	_ =	shalt  }
0x42: {  	_ =	shalt  }
0x43: {  	_ =	shalt  }
0x44: {  	_ =	shalt  }
0x45: {  	_ =	shalt  }
0x46: {  	_ =	shalt  }
0x47: {  	_ =	shalt  }
0x48: {  	_ =	shalt  }
0x49: {  	_ =	shalt  }
0x4a: {  	_ =	shalt  }
0x4b: {  	_ =	shalt  }
0x4c: {  	_ =	shalt  }
0x4d: {  	_ =	shalt  }
0x4e: {  	_ =	shalt  }
0x4f: {  	_ =	shalt  }
0x50: {  	_ =	shalt  }
0x51: {  	_ =	shalt  }
0x52: {  	_ =	shalt  }
0x53: {  	_ =	shalt  }
0x54: {  	_ =	shalt  }
0x55: {  	_ =	shalt  }
0x56: {  	_ =	shalt  }
0x57: {  	_ =	shalt  }
0x58: {  	_ =	shalt  }
0x59: {  	_ =	shalt  }
0x5a: {  	_ =	shalt  }
0x5b: {  	_ =	shalt  }
0x5c: {  	_ =	shalt  }
0x5d: {  	_ =	shalt  }
0x5e: {  	_ =	shalt  }
0x5f: {  	_ =	shalt  }
0x60: {  	_ =	shalt  }
0x61: {  	_ =	shalt  }
0x62: {  	_ =	shalt  }
0x63: {  	_ =	shalt  }
0x64: {  	_ =	shalt  }
0x65: {  	_ =	shalt  }
0x66: {  	_ =	shalt  }
0x67: {  	_ =	shalt  }
0x68: {  	_ =	shalt  }
0x69: {  	_ =	shalt  }
0x6a: {  	_ =	shalt  }
0x6b: {  	_ =	shalt  }
0x6c: {  	_ =	shalt  }
0x6d: {  	_ =	shalt  }
0x6e: {  	_ =	shalt  }
0x6f: {  	_ =	shalt  }
0x70: {  	_ =	shalt  }
0x71: {  	_ =	shalt  }
0x72: {  	_ =	shalt  }
0x73: {  	_ =	shalt  }
0x74: {  	_ =	shalt  }
0x75: {  	_ =	shalt  }
0x76: {  	_ =	shalt  }
0x77: {  	_ =	shalt  }
0x78: {  	_ =	shalt  }
0x79: {  	_ =	shalt  }
0x7a: {  	_ =	shalt  }
0x7b: {  	_ =	shalt  }
0x7c: {  	_ =	shalt  }
0x7d: {  	_ =	shalt  }
0x7e: {  	_ =	shalt  }
0x7f: {  	_ =	shalt  }
0x80: {  	_ =	shalt  }
0x81: {  	_ =	shalt  }
0x82: {  	_ =	shalt  }
0x83: {  	_ =	shalt  }
0x84: {  	_ =	shalt  }
0x85: {  	_ =	shalt  }
0x86: {  	_ =	shalt  }
0x87: {  	_ =	shalt  }
.Lfunc_end0:
.L_simem_size_0:
called_computation.1_lowered:
.L_overlay_start_0:
0x88: {  	s2 =	sld [smem:$0x3FD9]  }
0x89: {  	s3 =	sld [smem:$0x3FFE];
	_ =	sdelay $0x1  }
0x8a: {  	s1 =	srdreg.scid  }
0x8b: {  	s0 =	sand.u32 $0x1, s1  }
0x8c: {  	s17 =	sshll.u32 s0, $0xA;
	s2 =	sadd.s32 s3, s2  }
0x8d: {  	s2 =	sadd.s32 s2, s17  }
0x8e: {  	[smem:$0x3FBC] =	sst s2  }
0x8f: {  	_ = 	snop  }
0x90: {  	s2 =	sld [smem:$0x3FD0];
	(tm) =	ssettm $0x1  }
0x91: {  	s18 =	sld [smem:$0x3FFB];
	_ =	sdelay $0x3  }
0x92: {  	_ =	strace s18  }
0x93: {  	s3 =	sld [smem:$0x3FFC];
	_ =	sdelay $0x3  }
0x94: {  	_ =	strace s3  }
0x95: {  	s3 =	sld [smem:$0x3FFD];
	_ =	sdelay $0x3  }
0x96: {  	_ =	strace s3  }
0x97: {  	_ =	strace $0x8FFFFFFF  }
0x98: {  	s19 =	sld [smem:$0x3FDB];
	_ =	sdelay $0x1  }
0x99: {  	s4 =	simm.s32 $_scs_section_size  }
0x9a: {  	s5 =	simm.s32 $_size__tile_overlayer_lowered;
	s6 =	simm.s32 $_tile_overlayer_lowered  }
0x9b: {  	s22 =	simm.s32 $0x1BFF;
	s21 =	sshll.u32 s6, $0x1;
	s3 =	sadd.s32 s4, s19  }
0x9c: {  	s7 =	simm.s32 $0x0;
	s20 =	sshll.u32 s5, $0x1;
	s5 =	sadd.s32 s21, s3  }
0x9d: {  	[timem:s7], [sflag:s22] =	dma.local [hbm:s5], s20  }
0x9e: {  	_ =	swait.ge [sflag:s22], s20  }
0x9f: {  	s4 =	ssub.s32 $0x0, s20;
	[sflag:s22] =	ssyncset.done $0x0  }
0xa0: {  	[sflag:s22] =	ssyncadd.s32 s4;
	_ =	sdelay $0x1  }
0xa1: {  	s23 =	simm.s32 $0x1B8B  }
0xa2: {  	_ =	swait.ge [sflag:s23], $0x1  }
0xa3: {  	[sflag:s23] =	ssyncset.done $0x0  }
0xa4: {  	s25 =	simm.s32 $0x1B8E;
	s24 =	sld [smem:$0x3FFE];
	[sflag:s23] =	ssyncadd.s32 $0xFFFFFFFF  }
0xa5: {  	s26 =	simm.s32 $execute0_lowered;
	[smem:$0x3FD2] =	sst s25  }
0xa6: {  	s5 =	sshll.u32 s26, $0x1;
	_ =	strace $0x80000049;
	[dreg:$0x1] =	wrdreg $0xFFFFFFFF  }
0xa7: {  	s28 =	simm.s32 $_size_execute0_lowered;
	s3 =	sadd.s32 s3, s5;
	[dreg:$0x0] =	wrdreg $0x0  }
0xa8: {  	s5 =	sshll.u32 s28, $0x1;
	[dreg:$0x2] =	wrdreg s3  }
0xa9: {  	[dreg:$0x3] =	wrdreg s5  }
0xaa: {  	[dreg:$0x4] =	wrdreg $0xC0  }
0xab: {  	_ =	task [dreg:s7], $0x5FFFF  }
0xac: {  	[dreg:$0x1] =	wrdreg $0xFFFFFFFF  }
0xad: {  	[dreg:$0x0] =	wrdreg $0x60  }
0xae: {  	[dreg:$0x2] =	wrdreg s24  }
0xaf: {  	[dreg:$0x3] =	wrdreg s2  }
0xb0: {  	[dreg:$0x4] =	wrdreg $0x82800  }
0xb1: {  	[dreg:$0x5] =	wrdreg $0x1C2800  }
0xb2: {  	[dreg:$0x6] =	wrdreg $0x9  }
0xb3: {  	_ =	task.clear_ibuf [dreg:s7], $0x7FFFF;
	_ =	strace $0x90000049  }
0xb4: {  	s29 =	simm.s32 $0x9;
	_ =	strace $0x8000004B  }
0xb5: {  	_ =	swait.ge [sflag:s29], $0x1  }
0xb6: {  	[sflag:s29] =	ssyncadd.s32 $0xFFFFFFFF  }
0xb7: {  	_ =	strace $0x9000004B  }
0xb8: {  	_ =	sfence  }
0xb9: {  	s30 =	sld [smem:$0x0];
	_ =	sdelay $0x2  }
0xba: {  	s31 =	sshll.u32 s1, $0xD;
	s1 =	sshrl.u32 s1, $0x2  }
0xbb: {  	s3 =	sand.u32 $0x4000, s31;
	s1 =	sadd.s32 s1, s30  }
0xbc: {  	s0 =	sor.u32 s3, s0;
	s1 =	sshll.u32 s1, $0x11  }
0xbd: {  	s0 =	sor.u32 s1, s0  }
0xbe: {  	s0 =	sadd.s32 $0x8F2B, s0  }
0xbf: {  	[sflag:s0] =	ssyncadd.remote.s32 $0x1  }
0xc0: {  	_ =	sfence.sel $0xFFFF  }
0xc1: {  	[dreg:$0x0] =	wrdreg $0xFFFFFFFF;
	(pc) =	sbr.abs _section_cstart, $3  }
0xc2: {  	[dreg:$0x1] =	wrdreg $0xFFFFFFFF  }
0xc3: {  	_ =	task.clear_ibuf [dreg:s7], $0x2FFFF;
	_ =	strace $0x9FFFFFFF  }
0xc4: {  	(tm) =	ssettm $0x7FFFFFFF  }
0xc5: {  	_ =	shalt  }
tec
execute0_lowered:
.L_overlay_start_1:
0x0: {  	(tag) =	ssettag $0x1  }
0x1: {  	s0 =	rddreg [dreg:$0x0]  }
0x2: {  	s4 =	rddreg [dreg:$0x1]  }
0x3: {  	s1 =	rddreg [dreg:$0x2]  }
0x4: {  	s2 =	rddreg [dreg:$0x3];
	s3 =	simm.s32 $0x0;
	s5 =	srdreg.scid  }
0x5: {  	s14 =	stileid.u32;
	s28 =	simm.s32 $0x100;
	s29 =	simm.s32 $0x4100  }
0x6: {  	s30 =	simm.s32 $0x4180;
	s31 =	simm.s32 $0x4200;
	[smem:$0x7FF] =	sst s3  }
0x7: {  	s8 =	sand.u32 $0x1, s5;
	s5 =	sadd.s32 $0x51C00, s0;
	s6 =	sadd.s32 $0x2A400, s0  }
0x8: {  	s10 =	smul.u32 $0x14000, s14;
	s7 =	sadd.s32 $0x3E000, s0;
	s11 =	sadd.s32 $0x2400, s0  }
0x9: {  	s22 =	sadd.s32 $0x4C00, s0;
	s23 =	sadd.s32 $0x4E00, s0;
	s12 =	smul.u32 $0x50000, s14  }
0xa: {  	s18 =	smul.u32 $0x500, s14;
	_ =	strace $0x8000004A;
	[dreg:$0x5] =	wrdreg s11  }
0xb: {  	s16 =	sshll.u32 s14, $0x6;
	s20 =	smul.u32 $0x4F00, s14;
	[dreg:$0x6] =	wrdreg s22  }
0xc: {  	s9 =	smul.u32 $0x140000, s8;
	[dreg:$0x7] =	wrdreg s23;
	s24 =	ssub.s32 $0x2, s8  }
0xd: {  	s13 =	sshll.u32 s8, $0x4;
	s19 =	sshll.u32 s8, $0x7;
	s8 =	smul.u32 $0x4F000, s8  }
0xe: {  	s25 =	sshrl.u32 s24, $0x1;
	s15 =	sshrl.u32 s12, $0x2;
	s12 =	sor.u32 $0x1C03, s16  }
0xf: {  	s9 =	sadd.s32 s10, s9;
	s26 =	ssub.s32 s24, s25;
	s10 =	sor.u32 s14, s13  }
0x10: {  	s13 =	smul.u32 $0xA00, s14;
	s11 =	sadd.s32 s15, s1;
	s24 =	sadd.s32 s20, s8  }
0x11: {  	s9 =	sshrl.u32 s9, $0x3;
	[dreg:$0x8] =	wrdreg s11;
	s10 =	smul.u32 $0x4F00, s10  }
0x12: {  	s8 =	sor.u32 $0x80, s24;
	s0 =	sadd.s32 s9, s0;
	s17 =	sshrl.u32 s13, $0x2  }
0x13: {  	s11 =	sadd.s32 s17, s2;
	s10 =	sshrl.u32 s10, $0x3;
	s0 =	sadd.s32 $0x2D1C00, s0  }
0x14: {  	[dreg:$0x9] =	wrdreg s11;
	s11 =	sor.u32 s19, s18;
	s21 =	sadd.s32 s6, s10  }
0x15: {  	s22 =	sadd.s32 s7, s10;
	[dreg:$0xc] =	wrdreg s0;
	s18 =	smax.u32 s26, $0x1  }
0x16: {  	s25 =	sadd.s32 $0x9D0, s10;
	s26 =	sshrl.u32 s8, $0x3;
	[dreg:$0xa] =	wrdreg s21  }
0x17: {  	s0 =	simm.s32 $0x1;
	s8 =	simm.s32 $0x0;
	[dreg:$0xb] =	wrdreg s22  }
0x18: {  	s11 =	sshrl.u32 s11, $0x3;
	s19 =	sadd.s32 s6, s25;
	s20 =	sadd.s32 s7, s25  }
0x19: {  	s21 =	sadd.s32 $0x100, s24;
	s22 =	sadd.s32 s26, s7;
	s24 =	simm.s32 $0x3  }
0x1a: {  	s25 =	simm.s32 $0x8200;
	s23 =	sadd.s32 s4, s11;
	s4 =	simm.s32 $0x2  }
0x1b: {  	[dreg:$0xd] =	wrdreg s23;
	s23 =	sadd.s32 s26, s6;
	s26 =	simm.s32 $0x80  }
.LBB2_1:
0x1c: {  	s9 =	rddreg [dreg:$0x8]  }
0x1d: {  	s10 =	rddreg [dreg:$0x5];
	s9 =	sshrl.u32 s9, $0x3  }
0x1e: {  	[spmem:s9], [sflag:s12] =	dma.local [hbm:s10], $0x2800  }
0x1f: {  	_ =	swait.ge [sflag:s24], $0x2800  }
0x20: {  	[sflag:s24] =	ssyncset.done $0x0;
	s16 =	rddreg [dreg:$0x9]  }
0x21: {  	s11 =	rddreg [dreg:$0x6];
	[sflag:s24] =	ssyncadd.s32 $0xFFFFD800;
	s10 =	sshrl.u32 s16, $0x3  }
0x22: {  	[spmem:s10], [sflag:s12] =	dma.local [hbm:s11], $0x50  }
0x23: {  	_ =	swait.ge [sflag:s24], $0x50  }
0x24: {  	[sflag:s24] =	ssyncset.done $0x0  }
0x25: {  	s17 =	rddreg [dreg:$0x7];
	[sflag:s24] =	ssyncadd.s32 $0xFFFFFFB0  }
0x26: {  	[tilespmem:s25], [sflag:$0x3] =	stream.linear.gather [hbm4b:s17+s3], $0x80, $0x38;
	[tilespmem:$0x1C500] =	vst v63  }
0x27: {  	_ =	swait.ge [sflag:s24], $0x80  }
0x28: {  	[sflag:s24] =	ssyncset.done $0x0  }
0x29: {  	[sflag:s24] =	ssyncadd.s32 $0xFFFFFF80  }
0x2a: {  	[bflag:$0x0] =	sbarrier.arrive $0xFFFF  }
0x2b: {  	s13 =	rddreg [dreg:$0xa]  }
0x2c: {  	[tilespmem:s3], [sflag:$0x3] =	stream.linear.gather [hbm4b:s13+s3], $0x80, $0x38;
	[tilespmem:$0x1C500] =	vst v63  }
0x2d: {  	_ =	swait.ge [sflag:s24], $0x80  }
0x2e: {  	[sflag:s24] =	ssyncset.done $0x0  }
0x2f: {  	s14 =	rddreg [dreg:$0xb];
	[sflag:s24] =	ssyncadd.s32 $0xFFFFFF80  }
0x30: {  	[tilespmem:s26], [sflag:$0x3] =	stream.linear.gather [hbm4b:s14+s3], $0x80, $0x38;
	[tilespmem:$0x1C500] =	vst v63  }
0x31: {  	_ =	swait.ge [sflag:s24], $0x80  }
0x32: {  	[sflag:s24] =	ssyncset.done $0x0  }
0x33: {  	[sflag:s24] =	ssyncadd.s32 $0xFFFFFF80  }
0x34: {  	[tilespmem:s28], [sflag:$0x1] =	stream.indirect.gather [hbm4b:s5+s26], $0x80, s3, s26, $0xb8;
	[tilespmem:$0x1C500] =	vst v63  }
0x35: {  	s15 =	sadd.s32 $0x0, s23  }
0x36: {  	[tilespmem:s29], [sflag:$0x3] =	stream.linear.gather [hbm4b:s15+s3], $0x80, $0x38;
	[tilespmem:$0x1C500] =	vst v63  }
0x37: {  	_ =	swait.ge [sflag:s24], $0x80  }
0x38: {  	[sflag:s24] =	ssyncset.done $0x0  }
0x39: {  	s16 =	sadd.s32 $0x0, s22;
	[sflag:s24] =	ssyncadd.s32 $0xFFFFFF80  }
0x3a: {  	[tilespmem:s30], [sflag:$0x3] =	stream.linear.gather [hbm4b:s16+s3], $0x80, $0x38;
	[tilespmem:$0x1C500] =	vst v63  }
0x3b: {  	_ =	swait.ge [sflag:s24], $0x80  }
0x3c: {  	[sflag:s24] =	ssyncset.done $0x0  }
0x3d: {  	[sflag:s24] =	ssyncadd.s32 $0xFFFFFF80  }
0x3e: {  	[tilespmem:s31], [sflag:$0x2] =	stream.indirect.gather [hbm4b:s5+s26], $0x80, s29, s26, $0xb8;
	[tilespmem:$0x1C500] =	vst v63  }
0x3f: {  	_ =	swait.ge [sflag:s0], $0x4000  }
0x40: {  	[sflag:s0] =	ssyncset.done $0x0  }
0x41: {  	[sflag:s0] =	ssyncadd.s32 $0xFFFFC000  }
0x42: {  	[spmem:s1] =	stream.indirect.scatter.add.f32 [tilespmem:s28], [sflag:$0x3], $0x80, s26, s26, $0xb8;
	[tilespmem:$0x1C500] =	vst v63  }
0x43: {  	_ =	swait.ge [sflag:s24], $0x4000  }
0x44: {  	[sflag:s24] =	ssyncset.done $0x0  }
0x45: {  	[sflag:s24] =	ssyncadd.s32 $0xFFFFC000  }
0x46: {  	[spmem:s2] =	stream.indirect.scatter.add.f32 [tilespmem:s25], [sflag:$0x3], $0x1, s26, s26, $0xb8;
	[tilespmem:$0x1C500] =	vst v63  }
0x47: {  	_ =	swait.ge [sflag:s24], $0x80  }
0x48: {  	s17 =	sshrl.u32 s21, $0x3;
	[sflag:s24] =	ssyncset.done $0x0  }
0x49: {  	s13 =	sadd.s32 s6, s17;
	[sflag:s24] =	ssyncadd.s32 $0xFFFFFF80  }
0x4a: {  	[tilespmem:s3], [sflag:$0x3] =	stream.linear.gather [hbm4b:s13+s3], $0x80, $0x38;
	[tilespmem:$0x1C500] =	vst v63  }
0x4b: {  	_ =	swait.ge [sflag:s24], $0x80  }
0x4c: {  	[sflag:s24] =	ssyncset.done $0x0  }
0x4d: {  	s11 =	sadd.s32 s7, s17;
	[sflag:s24] =	ssyncadd.s32 $0xFFFFFF80  }
0x4e: {  	[tilespmem:s26], [sflag:$0x3] =	stream.linear.gather [hbm4b:s11+s3], $0x80, $0x38;
	[tilespmem:$0x1C500] =	vst v63  }
0x4f: {  	_ =	swait.ge [sflag:s24], $0x80  }
0x50: {  	[sflag:s24] =	ssyncset.done $0x0  }
0x51: {  	[sflag:s24] =	ssyncadd.s32 $0xFFFFFF80  }
0x52: {  	[tilespmem:s28], [sflag:$0x1] =	stream.indirect.gather [hbm4b:s5+s26], $0x80, s3, s26, $0xb8;
	[tilespmem:$0x1C500] =	vst v63  }
0x53: {  	_ =	swait.ge [sflag:s4], $0x4000  }
0x54: {  	[sflag:s4] =	ssyncset.done $0x0  }
0x55: {  	[sflag:s4] =	ssyncadd.s32 $0xFFFFC000  }
0x56: {  	[spmem:s1] =	stream.indirect.scatter.add.f32 [tilespmem:s31], [sflag:$0x3], $0x80, s30, s26, $0xb8;
	[tilespmem:$0x1C500] =	vst v63  }
0x57: {  	_ =	swait.ge [sflag:s24], $0x4000  }
0x58: {  	[sflag:s24] =	ssyncset.done $0x0  }
0x59: {  	[sflag:s24] =	ssyncadd.s32 $0xFFFFC000  }
0x5a: {  	[spmem:s2] =	stream.indirect.scatter.add.f32 [tilespmem:s25], [sflag:$0x3], $0x1, s30, s26, $0xb8;
	[tilespmem:$0x1C500] =	vst v63  }
0x5b: {  	s14 =	simm.s32 $0x40;
	_ =	swait.ge [sflag:s24], $0x80  }
0x5c: {  	s13 =	simm.s32 $0x20;
	s11 =	sadd.s32 $0x100, s21;
	[sflag:s24] =	ssyncset.done $0x0  }
.LBB2_2:
0x5d: {  	s16 =	sadd.s32 s13, s23  }
0x5e: {  	[sflag:s24] =	ssyncadd.s32 $0xFFFFFF80;
	s17 =	smov.u32 s14;
	s15 =	sadd.s32 $0x20, s14  }
0x5f: {  	[tilespmem:s29], [sflag:$0x3] =	stream.linear.gather [hbm4b:s16+s3], $0x80, $0x38;
	[tilespmem:$0x1C500] =	vst v63  }
0x60: {  	p0 =	sne.s32 s14, $0x9A0;
	_ =	swait.ge [sflag:s24], $0x80  }
0x61: {  	[sflag:s24] =	ssyncset.done $0x0  }
0x62: {  	s14 =	sadd.s32 s13, s22;
	s13 =	smov.u32 s17;
	[sflag:s24] =	ssyncadd.s32 $0xFFFFFF80  }
0x63: {  	[tilespmem:s30], [sflag:$0x3] =	stream.linear.gather [hbm4b:s14+s3], $0x80, $0x38;
	[tilespmem:$0x1C500] =	vst v63  }
0x64: {  	_ =	swait.ge [sflag:s24], $0x80  }
0x65: {  	[sflag:s24] =	ssyncset.done $0x0  }
0x66: {  	[sflag:s24] =	ssyncadd.s32 $0xFFFFFF80  }
0x67: {  	[tilespmem:s31], [sflag:$0x2] =	stream.indirect.gather [hbm4b:s5+s26], $0x80, s29, s26, $0xb8;
	[tilespmem:$0x1C500] =	vst v63  }
0x68: {  	_ =	swait.ge [sflag:s0], $0x4000  }
0x69: {  	[sflag:s0] =	ssyncset.done $0x0  }
0x6a: {  	[sflag:s0] =	ssyncadd.s32 $0xFFFFC000  }
0x6b: {  	[spmem:s1] =	stream.indirect.scatter.add.f32 [tilespmem:s28], [sflag:$0x3], $0x80, s26, s26, $0xb8;
	[tilespmem:$0x1C500] =	vst v63  }
0x6c: {  	_ =	swait.ge [sflag:s24], $0x4000  }
0x6d: {  	[sflag:s24] =	ssyncset.done $0x0  }
0x6e: {  	[sflag:s24] =	ssyncadd.s32 $0xFFFFC000  }
0x6f: {  	[spmem:s2] =	stream.indirect.scatter.add.f32 [tilespmem:s25], [sflag:$0x3], $0x1, s26, s26, $0xb8;
	[tilespmem:$0x1C500] =	vst v63  }
0x70: {  	_ =	swait.ge [sflag:s24], $0x80  }
0x71: {  	s14 =	sshrl.u32 s11, $0x3;
	[sflag:s24] =	ssyncset.done $0x0  }
0x72: {  	s16 =	sadd.s32 s6, s14;
	[sflag:s24] =	ssyncadd.s32 $0xFFFFFF80  }
0x73: {  	[tilespmem:s3], [sflag:$0x3] =	stream.linear.gather [hbm4b:s16+s3], $0x80, $0x38;
	[tilespmem:$0x1C500] =	vst v63  }
0x74: {  	_ =	swait.ge [sflag:s24], $0x80  }
0x75: {  	[sflag:s24] =	ssyncset.done $0x0  }
0x76: {  	s14 =	sadd.s32 s7, s14;
	[sflag:s24] =	ssyncadd.s32 $0xFFFFFF80  }
0x77: {  	[tilespmem:s26], [sflag:$0x3] =	stream.linear.gather [hbm4b:s14+s3], $0x80, $0x38;
	[tilespmem:$0x1C500] =	vst v63  }
0x78: {  	_ =	swait.ge [sflag:s24], $0x80  }
0x79: {  	[sflag:s24] =	ssyncset.done $0x0  }
0x7a: {  	[sflag:s24] =	ssyncadd.s32 $0xFFFFFF80  }
0x7b: {  	[tilespmem:s28], [sflag:$0x1] =	stream.indirect.gather [hbm4b:s5+s26], $0x80, s3, s26, $0xb8;
	[tilespmem:$0x1C500] =	vst v63  }
0x7c: {  	_ =	swait.ge [sflag:s4], $0x4000  }
0x7d: {  	[sflag:s4] =	ssyncset.done $0x0  }
0x7e: {  	[sflag:s4] =	ssyncadd.s32 $0xFFFFC000  }
0x7f: {  	[spmem:s1] =	stream.indirect.scatter.add.f32 [tilespmem:s31], [sflag:$0x3], $0x80, s30, s26, $0xb8;
	[tilespmem:$0x1C500] =	vst v63  }
0x80: {  	_ =	swait.ge [sflag:s24], $0x4000  }
.Ltmp0:
0x81: {  	[sflag:s24] =	ssyncset.done $0x0;
	(pc) =	sbr.rel @p0 .LBB2_2-.Ltmp0, $4  }
0x82: {  	[sflag:s24] =	ssyncadd.s32 $0xFFFFC000  }
0x83: {  	[spmem:s2] =	stream.indirect.scatter.add.f32 [tilespmem:s25], [sflag:$0x3], $0x1, s30, s26, $0xb8;
	[tilespmem:$0x1C500] =	vst v63  }
0x84: {  	_ =	swait.ge [sflag:s24], $0x80  }
0x85: {  	s11 =	sadd.s32 $0x100, s11;
	s14 =	smov.u32 s15;
	[sflag:s24] =	ssyncset.done $0x0  }
0x86: {  	s14 =	sadd.s32 s13, s23;
	[sflag:s24] =	ssyncadd.s32 $0xFFFFFF80  }
0x87: {  	[tilespmem:s29], [sflag:$0x3] =	stream.linear.gather [hbm4b:s14+s3], $0x80, $0x38;
	[tilespmem:$0x1C500] =	vst v63  }
0x88: {  	_ =	swait.ge [sflag:s24], $0x80  }
0x89: {  	[sflag:s24] =	ssyncset.done $0x0  }
0x8a: {  	s16 =	sadd.s32 s13, s22;
	[sflag:s24] =	ssyncadd.s32 $0xFFFFFF80  }
0x8b: {  	[tilespmem:s30], [sflag:$0x3] =	stream.linear.gather [hbm4b:s16+s3], $0x80, $0x38;
	[tilespmem:$0x1C500] =	vst v63  }
0x8c: {  	_ =	swait.ge [sflag:s24], $0x80  }
0x8d: {  	[sflag:s24] =	ssyncset.done $0x0  }
0x8e: {  	[sflag:s24] =	ssyncadd.s32 $0xFFFFFF80  }
0x8f: {  	[tilespmem:s31], [sflag:$0x2] =	stream.indirect.gather [hbm4b:s5+s26], $0x80, s29, s26, $0xb8;
	[tilespmem:$0x1C500] =	vst v63  }
0x90: {  	_ =	swait.ge [sflag:s0], $0x4000  }
0x91: {  	[sflag:s0] =	ssyncset.done $0x0  }
0x92: {  	[sflag:s0] =	ssyncadd.s32 $0xFFFFC000  }
0x93: {  	[spmem:s1] =	stream.indirect.scatter.add.f32 [tilespmem:s28], [sflag:$0x3], $0x80, s26, s26, $0xb8;
	[tilespmem:$0x1C500] =	vst v63  }
0x94: {  	_ =	swait.ge [sflag:s24], $0x4000  }
0x95: {  	[sflag:s24] =	ssyncset.done $0x0  }
0x96: {  	[sflag:s24] =	ssyncadd.s32 $0xFFFFC000  }
0x97: {  	[spmem:s2] =	stream.indirect.scatter.add.f32 [tilespmem:s25], [sflag:$0x3], $0x1, s26, s26, $0xb8;
	[tilespmem:$0x1C500] =	vst v63  }
0x98: {  	_ =	swait.ge [sflag:s24], $0x80  }
0x99: {  	s11 =	sshrl.u32 s11, $0x3;
	[sflag:s24] =	ssyncset.done $0x0  }
0x9a: {  	s17 =	sadd.s32 s6, s11;
	[sflag:s24] =	ssyncadd.s32 $0xFFFFFF80  }
0x9b: {  	[tilespmem:s3], [sflag:$0x3] =	stream.linear.gather [hbm4b:s17+s3], $0x80, $0x38;
	[tilespmem:$0x1C500] =	vst v63  }
0x9c: {  	_ =	swait.ge [sflag:s24], $0x80  }
0x9d: {  	[sflag:s24] =	ssyncset.done $0x0  }
0x9e: {  	s11 =	sadd.s32 s7, s11;
	[sflag:s24] =	ssyncadd.s32 $0xFFFFFF80  }
0x9f: {  	[tilespmem:s26], [sflag:$0x3] =	stream.linear.gather [hbm4b:s11+s3], $0x80, $0x38;
	[tilespmem:$0x1C500] =	vst v63  }
0xa0: {  	_ =	swait.ge [sflag:s24], $0x80  }
0xa1: {  	[sflag:s24] =	ssyncset.done $0x0  }
0xa2: {  	[sflag:s24] =	ssyncadd.s32 $0xFFFFFF80  }
0xa3: {  	[tilespmem:s28], [sflag:$0x1] =	stream.indirect.gather [hbm4b:s5+s26], $0x80, s3, s26, $0xb8;
	[tilespmem:$0x1C500] =	vst v63  }
0xa4: {  	_ =	swait.ge [sflag:s4], $0x4000  }
0xa5: {  	[sflag:s4] =	ssyncset.done $0x0  }
0xa6: {  	[sflag:s4] =	ssyncadd.s32 $0xFFFFC000  }
0xa7: {  	[spmem:s1] =	stream.indirect.scatter.add.f32 [tilespmem:s31], [sflag:$0x3], $0x80, s30, s26, $0xb8;
	[tilespmem:$0x1C500] =	vst v63  }
0xa8: {  	_ =	swait.ge [sflag:s24], $0x4000  }
0xa9: {  	[sflag:s24] =	ssyncset.done $0x0  }
0xaa: {  	[sflag:s24] =	ssyncadd.s32 $0xFFFFC000  }
0xab: {  	[spmem:s2] =	stream.indirect.scatter.add.f32 [tilespmem:s25], [sflag:$0x3], $0x1, s30, s26, $0xb8;
	[tilespmem:$0x1C500] =	vst v63  }
0xac: {  	_ =	swait.ge [sflag:s24], $0x80  }
0xad: {  	[sflag:s24] =	ssyncset.done $0x0  }
0xae: {  	[sflag:s24] =	ssyncadd.s32 $0xFFFFFF80  }
0xaf: {  	[tilespmem:s29], [sflag:$0x3] =	stream.linear.gather [hbm4b:s19+s3], $0x80, $0x38;
	[tilespmem:$0x1C500] =	vst v63  }
0xb0: {  	_ =	swait.ge [sflag:s24], $0x80  }
0xb1: {  	[sflag:s24] =	ssyncset.done $0x0  }
0xb2: {  	[sflag:s24] =	ssyncadd.s32 $0xFFFFFF80  }
0xb3: {  	[tilespmem:s30], [sflag:$0x3] =	stream.linear.gather [hbm4b:s20+s3], $0x80, $0x38;
	[tilespmem:$0x1C500] =	vst v63  }
0xb4: {  	_ =	swait.ge [sflag:s24], $0x80  }
0xb5: {  	[sflag:s24] =	ssyncset.done $0x0  }
0xb6: {  	[sflag:s24] =	ssyncadd.s32 $0xFFFFFF80  }
0xb7: {  	[tilespmem:s31], [sflag:$0x2] =	stream.indirect.gather [hbm4b:s5+s26], $0x80, s29, s26, $0xb8;
	[tilespmem:$0x1C500] =	vst v63  }
0xb8: {  	_ =	swait.ge [sflag:s0], $0x4000  }
0xb9: {  	[sflag:s0] =	ssyncset.done $0x0  }
0xba: {  	[sflag:s0] =	ssyncadd.s32 $0xFFFFC000  }
0xbb: {  	[spmem:s1] =	stream.indirect.scatter.add.f32 [tilespmem:s28], [sflag:$0x3], $0x80, s26, s26, $0xb8;
	[tilespmem:$0x1C500] =	vst v63  }
0xbc: {  	_ =	swait.ge [sflag:s24], $0x4000  }
0xbd: {  	[sflag:s24] =	ssyncset.done $0x0  }
0xbe: {  	[sflag:s24] =	ssyncadd.s32 $0xFFFFC000  }
0xbf: {  	[spmem:s2] =	stream.indirect.scatter.add.f32 [tilespmem:s25], [sflag:$0x3], $0x1, s26, s26, $0xb8;
	[tilespmem:$0x1C500] =	vst v63  }
0xc0: {  	_ =	swait.ge [sflag:s24], $0x80  }
0xc1: {  	[sflag:s24] =	ssyncset.done $0x0  }
0xc2: {  	[sflag:s24] =	ssyncadd.s32 $0xFFFFFF80  }
0xc3: {  	_ =	swait.ge [sflag:s4], $0x4000  }
0xc4: {  	[sflag:s4] =	ssyncset.done $0x0  }
0xc5: {  	[sflag:s4] =	ssyncadd.s32 $0xFFFFC000  }
0xc6: {  	[spmem:s1] =	stream.indirect.scatter.add.f32 [tilespmem:s31], [sflag:$0x3], $0x80, s30, s26, $0xb8;
	[tilespmem:$0x1C500] =	vst v63  }
0xc7: {  	_ =	swait.ge [sflag:s24], $0x4000  }
0xc8: {  	[sflag:s24] =	ssyncset.done $0x0  }
0xc9: {  	[sflag:s24] =	ssyncadd.s32 $0xFFFFC000  }
0xca: {  	[spmem:s2] =	stream.indirect.scatter.add.f32 [tilespmem:s25], [sflag:$0x3], $0x1, s30, s26, $0xb8;
	[tilespmem:$0x1C500] =	vst v63  }
0xcb: {  	_ =	swait.ge [sflag:s24], $0x80  }
0xcc: {  	[sflag:s24] =	ssyncset.done $0x0  }
0xcd: {  	[sflag:s24] =	ssyncadd.s32 $0xFFFFFF80  }
0xce: {  	[bflag:$0x0] =	sbarrier.arrive $0xFFFF  }
0xcf: {  	s8 =	sadd.s32 $0x1, s8;
	s14 =	rddreg [dreg:$0xc]  }
0xd0: {  	[hbm:s14], [sflag:s12] =	dma.local [spmem:s9], $0x2800  }
0xd1: {  	p0 =	sne.s32 s8, s18;
	_ =	swait.ge [sflag:s24], $0x2800  }
0xd2: {  	s16 =	simm.s32 $0x20;
	s17 =	simm.s32 $0x10;
	[sflag:s24] =	ssyncset.done $0x0  }
.Ltmp1:
0xd3: {  	s15 =	rddreg [dreg:$0xd];
	[sflag:s24] =	ssyncadd.s32 $0xFFFFD800;
	(pc) =	sbr.rel @p0 .LBB2_1-.Ltmp1, $4  }
0xd4: {  	[hbm:s15@s16], [sflag:s12] =	dma.strided [spmem:s10@s17], $0x50, s0, $0x10   }
0xd5: {  	_ =	swait.ge [sflag:s24], $0x50  }
0xd6: {  	[sflag:s24] =	ssyncset.done $0x0  }
0xd7: {  	[sflag:s24] =	ssyncadd.s32 $0xFFFFFFB0  }
0xd8: {  	_ =	sfence.sel $0x180000  }
0xd9: {  	[bflag:$0x0] =	sbarrier.arrive $0xFFFF  }
0xda: {  	_ =	strace $0x9000004A  }
0xdb: {  	s0 =	stileid.u32;
	[bflag:$0x2] =	sbarrier.arrive $0xFFFF  }
0xdc: {  	p0 =	sne.s32 s0, $0x0;
	s0 =	rddreg [dreg:$0x4]  }
0xdd: {  	s0 =	sadd.s32 @!p0 $0x100000, s0  }
0xde: {  	[sflag:s0] =	ssyncadd.tile.s32 @!p0 $0x1;
	_ =	shalt  }
.Lfunc_end2:
_tile_overlayer_lowered:
.L_overlay_start_2:
0xdf: {  	(tag) =	ssettag $0x2  }
0xe0: {  	s0 =	rddreg [dreg:$0x0];
	s2 =	stileid.u32  }
0xe1: {  	s1 =	rddreg [dreg:$0x1];
	p0 =	sne.s32 s2, $0x0  }
0xe2: {  	s3 =	rddreg [dreg:$0x2];
	[bflag:$0x3] =	sbarrier.arrive $0xFFFF;
	s2 =	simm.s32 @!p0 $0x1C03  }
0xe3: {  	[timem:s3], [sflag:s2] =	dma.local @!p0 [hbm:s0], s1  }
0xe4: {  	s0 =	simm.s32 @!p0 $0x3  }
0xe5: {  	_ =	swait.ge @!p0 [sflag:s0], s1  }
0xe6: {  	s1 =	ssub.s32 @!p0 $0x0, s1;
	[sflag:s0] =	ssyncset.done @!p0 $0x0  }
0xe7: {  	[sflag:s0] =	ssyncadd.s32 @!p0 s1  }
0xe8: {  	[bflag:$0x3] =	sbarrier.arrive $0xFFFF  }
0xe9: {  	_ =	shalt  }

// kernel: kernel.16.cloned.1.call-start
scs
__scs_entry_jumppad:
0x0: {  	(pc) =	sbr.rel $0x88, $3  }
0x1: {  	(tag) =	ssettag $0x0;
	lr =	simm.s32 $0x1  }
0x2: {  	[smem:$0x3F95] =	sst lr;
	_ =	strace $0xD0000000  }
0x3: {  	_ = 	snop  }
0x4: {  	_ = 	snop  }
0x5: {  	_ = 	snop  }
0x6: {  	_ = 	snop  }
0x7: {  	_ = 	snop  }
__scs_overlays_trampoline_lowered:
0x8: {  	[smem:$0x3FA4] =	sst s0  }
0x9: {  	[smem:$0x3FA5] =	sst s1  }
0xa: {  	[smem:$0x3FA6] =	sst s2  }
0xb: {  	[smem:$0x3FA7] =	sst s3  }
0xc: {  	[smem:$0x3FA8] =	sst s4  }
0xd: {  	[smem:$0x3FA9] =	sst s5  }
0xe: {  	[smem:$0x3FAA] =	sst s6  }
0xf: {  	[smem:$0x3FAB] =	sst s7  }
0x10: {  	[smem:$0x3FAC] =	sst s8  }
0x11: {  	[smem:$0x3FAD] =	sst s9;
	s0 =	simm.s32 @!p0 $0x0  }
0x12: {  	s1 =	sld [smem:$0x3F93];
	s0 =	simm.s32 @p0 $0x1  }
0x13: {  	[smem:$0x3FAE] =	sst s0;
	s0 =	simm.s32 @!p1 $0x0  }
0x14: {  	s2 =	sld [smem:$0x3F92];
	s0 =	simm.s32 @p1 $0x1  }
0x15: {  	[smem:$0x3FAF] =	sst s0;
	s0 =	simm.s32 @!p2 $0x0  }
0x16: {  	s3 =	sld [smem:$0x3FDB];
	s0 =	simm.s32 @p2 $0x1  }
0x17: {  	s4 =	simm.s32 $0x1BF5;
	[smem:$0x3FB1] =	sst s0  }
0x18: {  	s0 =	sld [smem:$0x3F94];
	_ =	swait.ge [sflag:s4], $0x0  }
0x19: {  	s7 =	sld [smem:$0x3F95]  }
0x1a: {  	s8 =	sadd.s32 $0xFFFFE003, lr  }
0x1b: {  	s9 =	sadd.s32 $0xFFFFFEF7, lr;
	s5 =	simm.s32 $0xFFFFFFFF;
	p2 =	slt.u32 s8, $0xFFFFF086  }
0x1c: {  	p1 =	slt.u32 s9, $0xF7A;
	s5 =	simm.s32 @!p2 $0x0  }
0x1d: {  	s5 =	simm.s32 @p1 $0x1;
	p0 =	seq.s32 s7, s2  }
0x1e: {  	s7 =	smul.u32 @!p0 $0xF7A, s2;
	p2 =	seq.s32 @!p0 s5, $0x0  }
0x1f: {  	s9 =	smul.u32 $0xF7A, s1;
	s8 =	simm.s32 @!p0 $0x1BF5;
	p2 =	por !p2, p0  }
0x20: {  	[sflag:s8] =	ssyncset.s32 @!p0 $0xFFFFF086;
	s6 =	sadd.s32 @!p0 s3, s7;
	s7 =	simm.s32 @!p0 $0x108  }
0x21: {  	s3 =	sadd.s32 s3, s9;
	s6 =	sadd.s32 @!p0 $0x88, s6;
	s7 =	simm.s32 @p2 $0x1082  }
0x22: {  	[simem:s7], [sflag:s8] =	dma.local @!p0 [hbm:s6], $0xF7A  }
0x23: {  	s9 =	sor.u32 $0xD0000000, s2;
	s6 =	simm.s32 $0x108;
	_ =	swait.ge @!p0 [sflag:s8], $0x0  }
0x24: {  	s3 =	sadd.s32 $0x88, s3;
	s6 =	simm.s32 @!p1 $0x1082;
	[sflag:s4] =	ssyncset.s32 $0xFFFFF086  }
0x25: {  	[simem:s6], [sflag:s4] =	dma.local [hbm:s3], $0xF7A  }
0x26: {  	[smem:$0x3F95] =	sst s1;
	(tag) =	ssettag s2;
	_ =	strace s9  }
0x27: {  	s1 =	sld [smem:$0x3FA5]  }
0x28: {  	s2 =	sld [smem:$0x3FA6]  }
0x29: {  	s4 =	sld [smem:$0x3FA8]  }
0x2a: {  	p0 =	seq.s32 s5, $0x0;
	s5 =	sld [smem:$0x3FA9]  }
0x2b: {  	s6 =	sld [smem:$0x3FAA]  }
0x2c: {  	s7 =	sld [smem:$0x3FAB]  }
0x2d: {  	s3 =	simm.s32 $0x108;
	s8 =	sld [smem:$0x3FAC]  }
0x2e: {  	s3 =	simm.s32 @!p0 $0x1082;
	s9 =	sld [smem:$0x3FAD]  }
0x2f: {  	lr =	sadd.s32 s0, s3;
	s0 =	sld [smem:$0x3FA4]  }
0x30: {  	s3 =	sld [smem:$0x3FA7]  }
0x31: {  	[smem:$0x3FB0] =	sst s10  }
0x32: {  	s10 =	sld [smem:$0x3FAE];
	_ =	sdelay $0x3  }
0x33: {  	p0 =	seq.s32 s10, $0x1;
	s10 =	sld [smem:$0x3FB0];
	_ =	sdelay $0x3  }
0x34: {  	[smem:$0x3FB0] =	sst s10  }
0x35: {  	s10 =	sld [smem:$0x3FAF];
	_ =	sdelay $0x3  }
0x36: {  	p1 =	seq.s32 s10, $0x1;
	s10 =	sld [smem:$0x3FB0];
	_ =	sdelay $0x3  }
0x37: {  	[smem:$0x3FB0] =	sst s10  }
0x38: {  	s10 =	sld [smem:$0x3FB1]  }
0x39: {  	_ = 	snop;
	(pc) =	sbr.ind lr, $3  }
0x3a: {  	_ = 	snop  }
0x3b: {  	_ = 	snop  }
0x3c: {  	p2 =	seq.s32 s10, $0x1;
	s10 =	sld [smem:$0x3FB0]  }
0x3d: {  	_ =	shalt  }
0x3e: {  	_ =	shalt  }
0x3f: {  	_ =	shalt  }
0x40: {  	_ =	shalt  }
0x41: {  	_ =	shalt  }
0x42: {  	_ =	shalt  }
0x43: {  	_ =	shalt  }
0x44: {  	_ =	shalt  }
0x45: {  	_ =	shalt  }
0x46: {  	_ =	shalt  }
0x47: {  	_ =	shalt  }
0x48: {  	_ =	shalt  }
0x49: {  	_ =	shalt  }
0x4a: {  	_ =	shalt  }
0x4b: {  	_ =	shalt  }
0x4c: {  	_ =	shalt  }
0x4d: {  	_ =	shalt  }
0x4e: {  	_ =	shalt  }
0x4f: {  	_ =	shalt  }
0x50: {  	_ =	shalt  }
0x51: {  	_ =	shalt  }
0x52: {  	_ =	shalt  }
0x53: {  	_ =	shalt  }
0x54: {  	_ =	shalt  }
0x55: {  	_ =	shalt  }
0x56: {  	_ =	shalt  }
0x57: {  	_ =	shalt  }
0x58: {  	_ =	shalt  }
0x59: {  	_ =	shalt  }
0x5a: {  	_ =	shalt  }
0x5b: {  	_ =	shalt  }
0x5c: {  	_ =	shalt  }
0x5d: {  	_ =	shalt  }
0x5e: {  	_ =	shalt  }
0x5f: {  	_ =	shalt  }
0x60: {  	_ =	shalt  }
0x61: {  	_ =	shalt  }
0x62: {  	_ =	shalt  }
0x63: {  	_ =	shalt  }
0x64: {  	_ =	shalt  }
0x65: {  	_ =	shalt  }
0x66: {  	_ =	shalt  }
0x67: {  	_ =	shalt  }
0x68: {  	_ =	shalt  }
0x69: {  	_ =	shalt  }
0x6a: {  	_ =	shalt  }
0x6b: {  	_ =	shalt  }
0x6c: {  	_ =	shalt  }
0x6d: {  	_ =	shalt  }
0x6e: {  	_ =	shalt  }
0x6f: {  	_ =	shalt  }
0x70: {  	_ =	shalt  }
0x71: {  	_ =	shalt  }
0x72: {  	_ =	shalt  }
0x73: {  	_ =	shalt  }
0x74: {  	_ =	shalt  }
0x75: {  	_ =	shalt  }
0x76: {  	_ =	shalt  }
0x77: {  	_ =	shalt  }
0x78: {  	_ =	shalt  }
0x79: {  	_ =	shalt  }
0x7a: {  	_ =	shalt  }
0x7b: {  	_ =	shalt  }
0x7c: {  	_ =	shalt  }
0x7d: {  	_ =	shalt  }
0x7e: {  	_ =	shalt  }
0x7f: {  	_ =	shalt  }
0x80: {  	_ =	shalt  }
0x81: {  	_ =	shalt  }
0x82: {  	_ =	shalt  }
0x83: {  	_ =	shalt  }
0x84: {  	_ =	shalt  }
0x85: {  	_ =	shalt  }
0x86: {  	_ =	shalt  }
0x87: {  	_ =	shalt  }
.Lfunc_end0:
.L_simem_size_0:
called_computation.2_lowered:
.L_overlay_start_0:
0x88: {  	s2 =	sld [smem:$0x3FD9]  }
0x89: {  	s3 =	sld [smem:$0x3FFE];
	_ =	sdelay $0x1  }
0x8a: {  	s1 =	srdreg.scid  }
0x8b: {  	s0 =	sand.u32 $0x1, s1  }
0x8c: {  	s16 =	sshll.u32 s0, $0xA;
	s2 =	sadd.s32 s3, s2  }
0x8d: {  	s2 =	sadd.s32 s2, s16  }
0x8e: {  	[smem:$0x3FBC] =	sst s2  }
0x8f: {  	_ = 	snop  }
0x90: {  	(tm) =	ssettm $0x1  }
0x91: {  	s17 =	sld [smem:$0x3FFB];
	_ =	sdelay $0x3  }
0x92: {  	_ =	strace s17  }
0x93: {  	s2 =	sld [smem:$0x3FFC];
	_ =	sdelay $0x3  }
0x94: {  	_ =	strace s2  }
0x95: {  	s2 =	sld [smem:$0x3FFD];
	_ =	sdelay $0x3  }
0x96: {  	_ =	strace s2  }
0x97: {  	_ =	strace $0x8FFFFFFF  }
0x98: {  	s18 =	sld [smem:$0x3FDB];
	_ =	sdelay $0x1  }
0x99: {  	s19 =	simm.s32 $_scs_section_size  }
0x9a: {  	s4 =	simm.s32 $_size__tile_overlayer_lowered;
	s5 =	simm.s32 $_tile_overlayer_lowered  }
0x9b: {  	s22 =	simm.s32 $0x1BFF;
	s21 =	sshll.u32 s5, $0x1;
	s2 =	sadd.s32 s19, s18  }
0x9c: {  	s6 =	simm.s32 $0x0;
	s20 =	sshll.u32 s4, $0x1;
	s4 =	sadd.s32 s21, s2  }
0x9d: {  	[timem:s6], [sflag:s22] =	dma.local [hbm:s4], s20  }
0x9e: {  	_ =	swait.ge [sflag:s22], s20  }
0x9f: {  	s3 =	ssub.s32 $0x0, s20;
	[sflag:s22] =	ssyncset.done $0x0  }
0xa0: {  	[sflag:s22] =	ssyncadd.s32 s3;
	_ =	sdelay $0x1  }
0xa1: {  	s23 =	simm.s32 $0x1B8B  }
0xa2: {  	_ =	swait.ge [sflag:s23], $0x1  }
0xa3: {  	[sflag:s23] =	ssyncset.done $0x0  }
0xa4: {  	s25 =	simm.s32 $0x1B8E;
	s24 =	sld [smem:$0x3FFE];
	[sflag:s23] =	ssyncadd.s32 $0xFFFFFFFF  }
0xa5: {  	s26 =	simm.s32 $execute0_lowered;
	[smem:$0x3FD2] =	sst s25  }
0xa6: {  	s4 =	sshll.u32 s26, $0x1;
	_ =	strace $0x8000004C;
	[dreg:$0x1] =	wrdreg $0xFFFFFFFF  }
0xa7: {  	s28 =	simm.s32 $_size_execute0_lowered;
	s2 =	sadd.s32 s2, s4;
	[dreg:$0x0] =	wrdreg $0x0  }
0xa8: {  	s4 =	sshll.u32 s28, $0x1;
	[dreg:$0x2] =	wrdreg s2  }
0xa9: {  	[dreg:$0x3] =	wrdreg s4  }
0xaa: {  	[dreg:$0x4] =	wrdreg $0xC0  }
0xab: {  	_ =	task [dreg:s6], $0x5FFFF  }
0xac: {  	[dreg:$0x1] =	wrdreg $0xFFFFFFFF  }
0xad: {  	[dreg:$0x0] =	wrdreg $0x60  }
0xae: {  	[dreg:$0x2] =	wrdreg s24  }
0xaf: {  	[dreg:$0x3] =	wrdreg $0x82000  }
0xb0: {  	[dreg:$0x4] =	wrdreg $0x9  }
0xb1: {  	_ =	task.clear_ibuf [dreg:s6], $0x5FFFF;
	_ =	strace $0x9000004C  }
0xb2: {  	s29 =	simm.s32 $0x9;
	_ =	strace $0x8000004E  }
0xb3: {  	_ =	swait.ge [sflag:s29], $0x1  }
0xb4: {  	[sflag:s29] =	ssyncadd.s32 $0xFFFFFFFF  }
0xb5: {  	_ =	strace $0x9000004E  }
0xb6: {  	_ =	sfence  }
0xb7: {  	s30 =	sld [smem:$0x0];
	_ =	sdelay $0x2  }
0xb8: {  	s31 =	sshll.u32 s1, $0xD;
	s1 =	sshrl.u32 s1, $0x2  }
0xb9: {  	s3 =	sand.u32 $0x4000, s31;
	s1 =	sadd.s32 s1, s30  }
0xba: {  	s0 =	sor.u32 s3, s0;
	s1 =	sshll.u32 s1, $0x11  }
0xbb: {  	s0 =	sor.u32 s1, s0  }
0xbc: {  	s0 =	sadd.s32 $0x8F2B, s0  }
0xbd: {  	[sflag:s0] =	ssyncadd.remote.s32 $0x1  }
0xbe: {  	_ =	sfence.sel $0xFFFF  }
0xbf: {  	[dreg:$0x0] =	wrdreg $0xFFFFFFFF;
	(pc) =	sbr.abs _section_cstart, $3  }
0xc0: {  	[dreg:$0x1] =	wrdreg $0xFFFFFFFF  }
0xc1: {  	_ =	task.clear_ibuf [dreg:s6], $0x2FFFF;
	_ =	strace $0x9FFFFFFF  }
0xc2: {  	(tm) =	ssettm $0x7FFFFFFF  }
0xc3: {  	_ =	shalt  }
tec
execute0_lowered:
.L_overlay_start_1:
0x0: {  	(tag) =	ssettag $0x1  }
0x1: {  	s0 =	rddreg [dreg:$0x0]  }
0x2: {  	s1 =	rddreg [dreg:$0x1];
	s2 =	srdreg.scid;
	s3 =	simm.s32 $0x0  }
0x3: {  	s24 =	stileid.u32;
	s19 =	simm.s32 $0x3;
	s20 =	simm.s32 $0x80  }
0x4: {  	s21 =	simm.s32 $0x100;
	s22 =	simm.s32 $0x4100;
	s23 =	simm.s32 $0x4180  }
0x5: {  	s28 =	simm.s32 $0x0;
	s8 =	sand.u32 $0x1, s2;
	s10 =	smul.u32 $0x14000, s24  }
0x6: {  	[smem:$0x7FF] =	sst s3;
	s4 =	sadd.s32 $0x51C00, s0;
	s11 =	smul.u32 $0x50000, s24  }
0x7: {  	s5 =	sadd.s32 $0x2A400, s0;
	s6 =	sadd.s32 $0x3E000, s0;
	s15 =	smul.u32 $0x4F00, s24  }
0x8: {  	s7 =	sadd.s32 $0x2400, s0;
	s29 =	sshll.u32 s24, $0x6;
	s9 =	smul.u32 $0x140000, s8  }
0x9: {  	_ =	strace $0x8000004D;
	[dreg:$0x3] =	wrdreg s7;
	s25 =	sshll.u32 s8, $0x4  }
0xa: {  	s26 =	ssub.s32 $0x2, s8;
	s13 =	smul.u32 $0x4F000, s8;
	s8 =	sor.u32 $0x1C03, s29  }
0xb: {  	s12 =	sshrl.u32 s26, $0x1;
	s11 =	sshrl.u32 s11, $0x2;
	s9 =	sadd.s32 s10, s9  }
0xc: {  	s10 =	sor.u32 s24, s25;
	s12 =	ssub.s32 s26, s12;
	s18 =	sadd.s32 s11, s1  }
0xd: {  	s15 =	sadd.s32 s15, s13;
	s24 =	simm.s32 $0x4200;
	s25 =	simm.s32 $0x1  }
0xe: {  	s26 =	simm.s32 $0x2;
	s9 =	sshrl.u32 s9, $0x3;
	s10 =	smul.u32 $0x4F00, s10  }
0xf: {  	s12 =	smax.u32 s12, $0x1;
	s16 =	sor.u32 $0x80, s15;
	s15 =	sadd.s32 $0x100, s15  }
0x10: {  	s18 =	sshrl.u32 s18, $0x3;
	s0 =	sadd.s32 s9, s0;
	s31 =	sshrl.u32 s16, $0x3  }
0x11: {  	s14 =	sshrl.u32 s10, $0x3;
	s11 =	sadd.s32 $0x2D1C00, s0;
	s16 =	sadd.s32 s31, s6  }
0x12: {  	s17 =	sadd.s32 s31, s5;
	s9 =	sadd.s32 s5, s14;
	s30 =	sadd.s32 $0x9D0, s14  }
0x13: {  	s10 =	sadd.s32 s6, s14;
	s13 =	sadd.s32 s5, s30;
	s14 =	sadd.s32 s6, s30  }
.LBB2_1:
0x14: {  	s0 =	rddreg [dreg:$0x3]  }
0x15: {  	[spmem:s18], [sflag:s8] =	dma.local [hbm:s0], $0x2800  }
0x16: {  	_ =	swait.ge [sflag:s19], $0x2800  }
0x17: {  	[sflag:s19] =	ssyncset.done $0x0  }
0x18: {  	[sflag:s19] =	ssyncadd.s32 $0xFFFFD800  }
0x19: {  	[bflag:$0x0] =	sbarrier.arrive $0xFFFF  }
0x1a: {  	[tilespmem:s3], [sflag:$0x3] =	stream.linear.gather [hbm4b:s9+s3], $0x80, $0x38;
	[tilespmem:$0x1C200] =	vst v63  }
0x1b: {  	_ =	swait.ge [sflag:s19], $0x80  }
0x1c: {  	[sflag:s19] =	ssyncset.done $0x0  }
0x1d: {  	[sflag:s19] =	ssyncadd.s32 $0xFFFFFF80  }
0x1e: {  	[tilespmem:s20], [sflag:$0x3] =	stream.linear.gather [hbm4b:s10+s3], $0x80, $0x38;
	[tilespmem:$0x1C200] =	vst v63  }
0x1f: {  	_ =	swait.ge [sflag:s19], $0x80  }
0x20: {  	[sflag:s19] =	ssyncset.done $0x0  }
0x21: {  	[sflag:s19] =	ssyncadd.s32 $0xFFFFFF80  }
0x22: {  	[tilespmem:s21], [sflag:$0x1] =	stream.indirect.gather [hbm4b:s4+s20], $0x80, s3, s20, $0xb8;
	[tilespmem:$0x1C200] =	vst v63  }
0x23: {  	s7 =	sadd.s32 $0x0, s17  }
0x24: {  	[tilespmem:s22], [sflag:$0x3] =	stream.linear.gather [hbm4b:s7+s3], $0x80, $0x38;
	[tilespmem:$0x1C200] =	vst v63  }
0x25: {  	_ =	swait.ge [sflag:s19], $0x80  }
0x26: {  	[sflag:s19] =	ssyncset.done $0x0  }
0x27: {  	s2 =	sadd.s32 $0x0, s16;
	[sflag:s19] =	ssyncadd.s32 $0xFFFFFF80  }
0x28: {  	[tilespmem:s23], [sflag:$0x3] =	stream.linear.gather [hbm4b:s2+s3], $0x80, $0x38;
	[tilespmem:$0x1C200] =	vst v63  }
0x29: {  	_ =	swait.ge [sflag:s19], $0x80  }
0x2a: {  	[sflag:s19] =	ssyncset.done $0x0  }
0x2b: {  	[sflag:s19] =	ssyncadd.s32 $0xFFFFFF80  }
0x2c: {  	[tilespmem:s24], [sflag:$0x2] =	stream.indirect.gather [hbm4b:s4+s20], $0x80, s22, s20, $0xb8;
	[tilespmem:$0x1C200] =	vst v63  }
0x2d: {  	_ =	swait.ge [sflag:s25], $0x4000  }
0x2e: {  	[sflag:s25] =	ssyncset.done $0x0  }
0x2f: {  	[sflag:s25] =	ssyncadd.s32 $0xFFFFC000  }
0x30: {  	[spmem:s1] =	stream.indirect.scatter.add.f32 [tilespmem:s21], [sflag:$0x3], $0x80, s20, s20, $0xb8;
	[tilespmem:$0x1C200] =	vst v63  }
0x31: {  	_ =	swait.ge [sflag:s19], $0x4000  }
0x32: {  	s7 =	sshrl.u32 s15, $0x3;
	[sflag:s19] =	ssyncset.done $0x0  }
0x33: {  	s29 =	sadd.s32 s5, s7;
	[sflag:s19] =	ssyncadd.s32 $0xFFFFC000  }
0x34: {  	[tilespmem:s3], [sflag:$0x3] =	stream.linear.gather [hbm4b:s29+s3], $0x80, $0x38;
	[tilespmem:$0x1C200] =	vst v63  }
0x35: {  	_ =	swait.ge [sflag:s19], $0x80  }
0x36: {  	[sflag:s19] =	ssyncset.done $0x0  }
0x37: {  	s0 =	sadd.s32 s6, s7;
	[sflag:s19] =	ssyncadd.s32 $0xFFFFFF80  }
0x38: {  	[tilespmem:s20], [sflag:$0x3] =	stream.linear.gather [hbm4b:s0+s3], $0x80, $0x38;
	[tilespmem:$0x1C200] =	vst v63  }
0x39: {  	_ =	swait.ge [sflag:s19], $0x80  }
0x3a: {  	[sflag:s19] =	ssyncset.done $0x0  }
0x3b: {  	[sflag:s19] =	ssyncadd.s32 $0xFFFFFF80  }
0x3c: {  	[tilespmem:s21], [sflag:$0x1] =	stream.indirect.gather [hbm4b:s4+s20], $0x80, s3, s20, $0xb8;
	[tilespmem:$0x1C200] =	vst v63  }
0x3d: {  	_ =	swait.ge [sflag:s26], $0x4000  }
0x3e: {  	[sflag:s26] =	ssyncset.done $0x0  }
0x3f: {  	[sflag:s26] =	ssyncadd.s32 $0xFFFFC000  }
0x40: {  	[spmem:s1] =	stream.indirect.scatter.add.f32 [tilespmem:s24], [sflag:$0x3], $0x80, s23, s20, $0xb8;
	[tilespmem:$0x1C200] =	vst v63  }
0x41: {  	s30 =	simm.s32 $0x20;
	_ =	swait.ge [sflag:s19], $0x4000  }
0x42: {  	s31 =	simm.s32 $0x40;
	s29 =	sadd.s32 $0x100, s15;
	[sflag:s19] =	ssyncset.done $0x0  }
.LBB2_2:
0x43: {  	s2 =	sadd.s32 s30, s17  }
0x44: {  	[sflag:s19] =	ssyncadd.s32 $0xFFFFC000;
	s7 =	smov.u32 s31;
	s0 =	sadd.s32 $0x20, s31  }
0x45: {  	[tilespmem:s22], [sflag:$0x3] =	stream.linear.gather [hbm4b:s2+s3], $0x80, $0x38;
	[tilespmem:$0x1C200] =	vst v63  }
0x46: {  	p0 =	sne.s32 s31, $0x9A0;
	_ =	swait.ge [sflag:s19], $0x80  }
0x47: {  	[sflag:s19] =	ssyncset.done $0x0  }
0x48: {  	s2 =	sadd.s32 s30, s16;
	s30 =	smov.u32 s7;
	[sflag:s19] =	ssyncadd.s32 $0xFFFFFF80  }
0x49: {  	[tilespmem:s23], [sflag:$0x3] =	stream.linear.gather [hbm4b:s2+s3], $0x80, $0x38;
	[tilespmem:$0x1C200] =	vst v63  }
0x4a: {  	_ =	swait.ge [sflag:s19], $0x80  }
0x4b: {  	[sflag:s19] =	ssyncset.done $0x0  }
0x4c: {  	[sflag:s19] =	ssyncadd.s32 $0xFFFFFF80  }
0x4d: {  	[tilespmem:s24], [sflag:$0x2] =	stream.indirect.gather [hbm4b:s4+s20], $0x80, s22, s20, $0xb8;
	[tilespmem:$0x1C200] =	vst v63  }
0x4e: {  	_ =	swait.ge [sflag:s25], $0x4000  }
0x4f: {  	[sflag:s25] =	ssyncset.done $0x0  }
0x50: {  	[sflag:s25] =	ssyncadd.s32 $0xFFFFC000  }
0x51: {  	[spmem:s1] =	stream.indirect.scatter.add.f32 [tilespmem:s21], [sflag:$0x3], $0x80, s20, s20, $0xb8;
	[tilespmem:$0x1C200] =	vst v63  }
0x52: {  	_ =	swait.ge [sflag:s19], $0x4000  }
0x53: {  	s2 =	sshrl.u32 s29, $0x3;
	[sflag:s19] =	ssyncset.done $0x0  }
0x54: {  	s7 =	sadd.s32 s5, s2;
	[sflag:s19] =	ssyncadd.s32 $0xFFFFC000  }
0x55: {  	[tilespmem:s3], [sflag:$0x3] =	stream.linear.gather [hbm4b:s7+s3], $0x80, $0x38;
	[tilespmem:$0x1C200] =	vst v63  }
0x56: {  	_ =	swait.ge [sflag:s19], $0x80  }
0x57: {  	[sflag:s19] =	ssyncset.done $0x0  }
0x58: {  	s2 =	sadd.s32 s6, s2;
	[sflag:s19] =	ssyncadd.s32 $0xFFFFFF80  }
0x59: {  	[tilespmem:s20], [sflag:$0x3] =	stream.linear.gather [hbm4b:s2+s3], $0x80, $0x38;
	[tilespmem:$0x1C200] =	vst v63  }
0x5a: {  	_ =	swait.ge [sflag:s19], $0x80  }
0x5b: {  	[sflag:s19] =	ssyncset.done $0x0  }
0x5c: {  	[sflag:s19] =	ssyncadd.s32 $0xFFFFFF80  }
0x5d: {  	[tilespmem:s21], [sflag:$0x1] =	stream.indirect.gather [hbm4b:s4+s20], $0x80, s3, s20, $0xb8;
	[tilespmem:$0x1C200] =	vst v63  }
0x5e: {  	_ =	swait.ge [sflag:s26], $0x4000  }
.Ltmp0:
0x5f: {  	[sflag:s26] =	ssyncset.done $0x0;
	(pc) =	sbr.rel @p0 .LBB2_2-.Ltmp0, $4  }
0x60: {  	[sflag:s26] =	ssyncadd.s32 $0xFFFFC000  }
0x61: {  	[spmem:s1] =	stream.indirect.scatter.add.f32 [tilespmem:s24], [sflag:$0x3], $0x80, s23, s20, $0xb8;
	[tilespmem:$0x1C200] =	vst v63  }
0x62: {  	_ =	swait.ge [sflag:s19], $0x4000  }
0x63: {  	s31 =	smov.u32 s0;
	s29 =	sadd.s32 $0x100, s29;
	[sflag:s19] =	ssyncset.done $0x0  }
0x64: {  	s0 =	sadd.s32 s30, s17;
	[sflag:s19] =	ssyncadd.s32 $0xFFFFC000  }
0x65: {  	[tilespmem:s22], [sflag:$0x3] =	stream.linear.gather [hbm4b:s0+s3], $0x80, $0x38;
	[tilespmem:$0x1C200] =	vst v63  }
0x66: {  	_ =	swait.ge [sflag:s19], $0x80  }
0x67: {  	[sflag:s19] =	ssyncset.done $0x0  }
0x68: {  	s30 =	sadd.s32 s30, s16;
	[sflag:s19] =	ssyncadd.s32 $0xFFFFFF80  }
0x69: {  	[tilespmem:s23], [sflag:$0x3] =	stream.linear.gather [hbm4b:s30+s3], $0x80, $0x38;
	[tilespmem:$0x1C200] =	vst v63  }
0x6a: {  	_ =	swait.ge [sflag:s19], $0x80  }
0x6b: {  	[sflag:s19] =	ssyncset.done $0x0  }
0x6c: {  	[sflag:s19] =	ssyncadd.s32 $0xFFFFFF80  }
0x6d: {  	[tilespmem:s24], [sflag:$0x2] =	stream.indirect.gather [hbm4b:s4+s20], $0x80, s22, s20, $0xb8;
	[tilespmem:$0x1C200] =	vst v63  }
0x6e: {  	_ =	swait.ge [sflag:s25], $0x4000  }
0x6f: {  	[sflag:s25] =	ssyncset.done $0x0  }
0x70: {  	[sflag:s25] =	ssyncadd.s32 $0xFFFFC000  }
0x71: {  	[spmem:s1] =	stream.indirect.scatter.add.f32 [tilespmem:s21], [sflag:$0x3], $0x80, s20, s20, $0xb8;
	[tilespmem:$0x1C200] =	vst v63  }
0x72: {  	_ =	swait.ge [sflag:s19], $0x4000  }
0x73: {  	s31 =	sshrl.u32 s29, $0x3;
	[sflag:s19] =	ssyncset.done $0x0  }
0x74: {  	s2 =	sadd.s32 s5, s31;
	[sflag:s19] =	ssyncadd.s32 $0xFFFFC000  }
0x75: {  	[tilespmem:s3], [sflag:$0x3] =	stream.linear.gather [hbm4b:s2+s3], $0x80, $0x38;
	[tilespmem:$0x1C200] =	vst v63  }
0x76: {  	_ =	swait.ge [sflag:s19], $0x80  }
0x77: {  	[sflag:s19] =	ssyncset.done $0x0  }
0x78: {  	s0 =	sadd.s32 s6, s31;
	[sflag:s19] =	ssyncadd.s32 $0xFFFFFF80  }
0x79: {  	[tilespmem:s20], [sflag:$0x3] =	stream.linear.gather [hbm4b:s0+s3], $0x80, $0x38;
	[tilespmem:$0x1C200] =	vst v63  }
0x7a: {  	_ =	swait.ge [sflag:s19], $0x80  }
0x7b: {  	[sflag:s19] =	ssyncset.done $0x0  }
0x7c: {  	[sflag:s19] =	ssyncadd.s32 $0xFFFFFF80  }
0x7d: {  	[tilespmem:s21], [sflag:$0x1] =	stream.indirect.gather [hbm4b:s4+s20], $0x80, s3, s20, $0xb8;
	[tilespmem:$0x1C200] =	vst v63  }
0x7e: {  	_ =	swait.ge [sflag:s26], $0x4000  }
0x7f: {  	[sflag:s26] =	ssyncset.done $0x0  }
0x80: {  	[sflag:s26] =	ssyncadd.s32 $0xFFFFC000  }
0x81: {  	[spmem:s1] =	stream.indirect.scatter.add.f32 [tilespmem:s24], [sflag:$0x3], $0x80, s23, s20, $0xb8;
	[tilespmem:$0x1C200] =	vst v63  }
0x82: {  	_ =	swait.ge [sflag:s19], $0x4000  }
0x83: {  	[sflag:s19] =	ssyncset.done $0x0  }
0x84: {  	[sflag:s19] =	ssyncadd.s32 $0xFFFFC000  }
0x85: {  	[tilespmem:s22], [sflag:$0x3] =	stream.linear.gather [hbm4b:s13+s3], $0x80, $0x38;
	[tilespmem:$0x1C200] =	vst v63  }
0x86: {  	_ =	swait.ge [sflag:s19], $0x80  }
0x87: {  	[sflag:s19] =	ssyncset.done $0x0  }
0x88: {  	[sflag:s19] =	ssyncadd.s32 $0xFFFFFF80  }
0x89: {  	[tilespmem:s23], [sflag:$0x3] =	stream.linear.gather [hbm4b:s14+s3], $0x80, $0x38;
	[tilespmem:$0x1C200] =	vst v63  }
0x8a: {  	_ =	swait.ge [sflag:s19], $0x80  }
0x8b: {  	[sflag:s19] =	ssyncset.done $0x0  }
0x8c: {  	[sflag:s19] =	ssyncadd.s32 $0xFFFFFF80  }
0x8d: {  	[tilespmem:s24], [sflag:$0x2] =	stream.indirect.gather [hbm4b:s4+s20], $0x80, s22, s20, $0xb8;
	[tilespmem:$0x1C200] =	vst v63  }
0x8e: {  	_ =	swait.ge [sflag:s25], $0x4000  }
0x8f: {  	[sflag:s25] =	ssyncset.done $0x0  }
0x90: {  	[sflag:s25] =	ssyncadd.s32 $0xFFFFC000  }
0x91: {  	[spmem:s1] =	stream.indirect.scatter.add.f32 [tilespmem:s21], [sflag:$0x3], $0x80, s20, s20, $0xb8;
	[tilespmem:$0x1C200] =	vst v63  }
0x92: {  	_ =	swait.ge [sflag:s19], $0x4000  }
0x93: {  	[sflag:s19] =	ssyncset.done $0x0  }
0x94: {  	[sflag:s19] =	ssyncadd.s32 $0xFFFFC000  }
0x95: {  	_ =	swait.ge [sflag:s26], $0x4000  }
0x96: {  	[sflag:s26] =	ssyncset.done $0x0  }
0x97: {  	[sflag:s26] =	ssyncadd.s32 $0xFFFFC000  }
0x98: {  	[spmem:s1] =	stream.indirect.scatter.add.f32 [tilespmem:s24], [sflag:$0x3], $0x80, s23, s20, $0xb8;
	[tilespmem:$0x1C200] =	vst v63  }
0x99: {  	_ =	swait.ge [sflag:s19], $0x4000  }
0x9a: {  	s28 =	sadd.s32 $0x1, s28;
	[sflag:s19] =	ssyncset.done $0x0  }
0x9b: {  	p0 =	sne.s32 s28, s12;
	[sflag:s19] =	ssyncadd.s32 $0xFFFFC000  }
.Ltmp1:
0x9c: {  	[bflag:$0x0] =	sbarrier.arrive $0xFFFF;
	(pc) =	sbr.rel @p0 .LBB2_1-.Ltmp1, $4  }
0x9d: {  	[hbm:s11], [sflag:s8] =	dma.local [spmem:s18], $0x2800  }
0x9e: {  	_ =	swait.ge [sflag:s19], $0x2800  }
0x9f: {  	[sflag:s19] =	ssyncset.done $0x0  }
0xa0: {  	[sflag:s19] =	ssyncadd.s32 $0xFFFFD800  }
0xa1: {  	_ =	sfence.sel $0x180000  }
0xa2: {  	[bflag:$0x0] =	sbarrier.arrive $0xFFFF  }
0xa3: {  	_ =	strace $0x9000004D  }
0xa4: {  	s0 =	stileid.u32;
	[bflag:$0x2] =	sbarrier.arrive $0xFFFF  }
0xa5: {  	p0 =	sne.s32 s0, $0x0;
	s0 =	rddreg [dreg:$0x2]  }
0xa6: {  	s0 =	sadd.s32 @!p0 $0x100000, s0  }
0xa7: {  	[sflag:s0] =	ssyncadd.tile.s32 @!p0 $0x1;
	_ =	shalt  }
.Lfunc_end2:
_tile_overlayer_lowered:
.L_overlay_start_2:
0xa8: {  	(tag) =	ssettag $0x2  }
0xa9: {  	s0 =	rddreg [dreg:$0x0];
	s2 =	stileid.u32  }
0xaa: {  	s1 =	rddreg [dreg:$0x1];
	p0 =	sne.s32 s2, $0x0  }
0xab: {  	s3 =	rddreg [dreg:$0x2];
	[bflag:$0x3] =	sbarrier.arrive $0xFFFF;
	s2 =	simm.s32 @!p0 $0x1C03  }
0xac: {  	[timem:s3], [sflag:s2] =	dma.local @!p0 [hbm:s0], s1  }
0xad: {  	s0 =	simm.s32 @!p0 $0x3  }
0xae: {  	_ =	swait.ge @!p0 [sflag:s0], s1  }
0xaf: {  	s1 =	ssub.s32 @!p0 $0x0, s1;
	[sflag:s0] =	ssyncset.done @!p0 $0x0  }
0xb0: {  	[sflag:s0] =	ssyncadd.s32 @!p0 s1  }
0xb1: {  	[bflag:$0x3] =	sbarrier.arrive $0xFFFF  }
0xb2: {  	_ =	shalt  }

</sc_bundles>
